<compile_context>
chip_gen: v7x
topology: tpu7x:2x2x1
jax: 0.10.2.dev20260603
libtpu: 0.0.44.dev20260713+nightly
codegen_flags: <defaults>
</compile_context>

<pallas_src>
import dataclasses
import functools

import jax
import jax.numpy as jnp
from jax import lax
from jax.experimental import pallas as pl
from jax.experimental.pallas import tpu as pltpu
from jax.experimental.pallas import tpu_sc as plsc

N = 10000
E = 320000
C = 128
NC = 2
NS = 16
NW = NC * NS
EPW = E // NW
K = 128
NFULL = EPW // K
TAIL = EPW - NFULL * K
EPAD = 2 * K
NP = 10240
ZCH = 80
NZCH = N // ZCH
L = 16


def _sc_segment_sum(src_hbm, dst_hbm, x_hbm, zrow_hbm, zcnt_hbm,
                    agg_out, cnt_out, src0, dst0, src1, dst1,
                    rows0, rows1, src_t, dst_t, rows_t, cnt_loc, agg_sh,
                    sem0, sem1):
    cid = lax.axis_index("c")
    sid = lax.axis_index("s")
    wid = sid * NC + cid

    pltpu.sync_copy(zcnt_hbm, cnt_loc)

    @pl.loop(sid, NZCH, step=NS)
    def _(k):
        pltpu.sync_copy(zrow_hbm, agg_sh.at[pl.ds(k * ZCH, ZCH)])

    plsc.subcore_barrier()

    ebase = wid * EPW
    pltpu.sync_copy(src_hbm.at[pl.ds(ebase, K)], src0)
    pltpu.sync_copy(dst_hbm.at[pl.ds(ebase, K)], dst0)
    pltpu.make_async_copy(x_hbm.at[src0], rows0, sem0).start()
    pltpu.sync_copy(src_hbm.at[pl.ds(ebase + K, K)], src1)
    pltpu.sync_copy(dst_hbm.at[pl.ds(ebase + K, K)], dst1)
    pltpu.make_async_copy(x_hbm.at[src1], rows1, sem1).start()

    ones16 = jnp.ones((L,), jnp.float32)
    bufs = ((src0, dst0, rows0, sem0), (src1, dst1, rows1, sem1))

    @pl.loop(0, NFULL // 2)
    def _(i):
        base = ebase + 2 * i * K
        for b, (srcb, dstb, rowsb, semb) in enumerate(bufs):
            pltpu.make_async_copy(x_hbm.at[srcb], rowsb, semb).wait()
            pltpu.sync_copy(rowsb, agg_sh.at[dstb], add=True)
            for j in range(K // L):
                plsc.addupdate_scatter(cnt_loc, [dstb[pl.ds(j * L, L)]],
                                       ones16)
            nbase = base + (b + 2) * K
            pltpu.sync_copy(src_hbm.at[pl.ds(nbase, K)], srcb)
            pltpu.sync_copy(dst_hbm.at[pl.ds(nbase, K)], dstb)
            pltpu.make_async_copy(x_hbm.at[srcb], rowsb, semb).start()

    pltpu.make_async_copy(x_hbm.at[src0], rows0, sem0).wait()
    pltpu.make_async_copy(x_hbm.at[src1], rows1, sem1).wait()

    tbase = ebase + NFULL * K
    pltpu.sync_copy(src_hbm.at[pl.ds(tbase, TAIL)], src_t)
    pltpu.sync_copy(dst_hbm.at[pl.ds(tbase, TAIL)], dst_t)
    pltpu.async_copy(x_hbm.at[src_t], rows_t, sem0).wait()
    pltpu.sync_copy(rows_t, agg_sh.at[dst_t], add=True)
    for j in range(TAIL // L):
        plsc.addupdate_scatter(cnt_loc, [dst_t[pl.ds(j * L, L)]], ones16)

    pltpu.sync_copy(cnt_loc, cnt_out.at[pl.ds(wid * NP, NP)])

    plsc.subcore_barrier()

    @pl.loop(sid, NZCH, step=NS)
    def _(k):
        r0 = k * ZCH
        pltpu.sync_copy(agg_sh.at[pl.ds(r0, ZCH)],
                        agg_out.at[pl.ds(cid * N + r0, ZCH)])


@functools.cache
def _sc_segment_sum_call():
    mesh = plsc.VectorSubcoreMesh(core_axis_name="c", subcore_axis_name="s",
                                  num_cores=NC, num_subcores=NS)
    cp = pltpu.CompilerParams()
    if "needs_layout_passes" in pltpu.CompilerParams.__dataclass_fields__:
        cp = dataclasses.replace(cp, needs_layout_passes=False)
    return pl.kernel(
        _sc_segment_sum,
        out_type=(
            jax.ShapeDtypeStruct((NC * N, C), jnp.float32),
            jax.ShapeDtypeStruct((NW * NP,), jnp.float32),
        ),
        mesh=mesh,
        compiler_params=cp,
        scratch_types=[
            pltpu.VMEM((K,), jnp.int32),
            pltpu.VMEM((K,), jnp.int32),
            pltpu.VMEM((K,), jnp.int32),
            pltpu.VMEM((K,), jnp.int32),
            pltpu.VMEM((K, C), jnp.float32),
            pltpu.VMEM((K, C), jnp.float32),
            pltpu.VMEM((TAIL,), jnp.int32),
            pltpu.VMEM((TAIL,), jnp.int32),
            pltpu.VMEM((TAIL, C), jnp.float32),
            pltpu.VMEM((NP,), jnp.float32),
            pltpu.VMEM_SHARED((N, C), jnp.float32),
            pltpu.SemaphoreType.DMA,
            pltpu.SemaphoreType.DMA,
        ],
    )


_BR = 1000
_NBLK = N // _BR


def _dense_body(x_ref, a0_ref, a1_ref, c_ref, wlt_ref, bl_ref,
                wrt_ref, g_ref, b_ref, o_ref):
    cnt_row = jnp.sum(c_ref[0], axis=0, keepdims=True)
    recip_row = 1.0 / jnp.maximum(cnt_row, 1.0)
    rows_i = lax.broadcasted_iota(jnp.int32, (_BR, _BR), 0)
    cols_i = lax.broadcasted_iota(jnp.int32, (_BR, _BR), 1)
    diag = jnp.where(rows_i == cols_i,
                     jnp.broadcast_to(recip_row, (_BR, _BR)), 0.0)
    agg = a0_ref[...] + a1_ref[...]
    aggm = jnp.dot(diag, agg, preferred_element_type=jnp.float32)
    xb = x_ref[...]
    conv = (jnp.dot(aggm, wlt_ref[...], preferred_element_type=jnp.float32)
            + jnp.dot(xb, wrt_ref[...], preferred_element_type=jnp.float32)
            + bl_ref[...])
    mean = jnp.mean(conv, axis=-1, keepdims=True)
    cen = conv - mean
    var = jnp.mean(cen * cen, axis=-1, keepdims=True)
    normed = cen * lax.rsqrt(var + 1e-5) * g_ref[...] + b_ref[...]
    o_ref[...] = xb + jnp.maximum(normed, 0.0)


def _dense(x, aggp, cntp, W_lT, b_l, W_rT, ln_gamma, ln_beta):
    return pl.pallas_call(
        _dense_body,
        grid=(_NBLK,),
        in_specs=[
            pl.BlockSpec((_BR, C), lambda i: (i, 0)),
            pl.BlockSpec((_BR, C), lambda i: (i, 0)),
            pl.BlockSpec((_BR, C), lambda i: (i + _NBLK, 0)),
            pl.BlockSpec((1, NW, _BR), lambda i: (i, 0, 0)),
            pl.BlockSpec((C, C), lambda i: (0, 0)),
            pl.BlockSpec((1, C), lambda i: (0, 0)),
            pl.BlockSpec((C, C), lambda i: (0, 0)),
            pl.BlockSpec((1, C), lambda i: (0, 0)),
            pl.BlockSpec((1, C), lambda i: (0, 0)),
        ],
        out_specs=pl.BlockSpec((_BR, C), lambda i: (i, 0)),
        out_shape=jax.ShapeDtypeStruct((N, C), jnp.float32),
    )(x, aggp, aggp, cntp, W_lT, b_l.reshape(1, C), W_rT,
      ln_gamma.reshape(1, C), ln_beta.reshape(1, C))


def kernel(x, edge_index, W_l, b_l, W_r, ln_gamma, ln_beta):
    src = edge_index[0].astype(jnp.int32)
    dst = edge_index[1].astype(jnp.int32)
    zpad = jnp.zeros((EPAD,), jnp.int32)
    srcp = jnp.concatenate([src, zpad])
    dstp = jnp.concatenate([dst, zpad])
    zrow = jnp.zeros((ZCH, C), jnp.float32)
    zcnt = jnp.zeros((NP,), jnp.float32)
    aggp, cntp = _sc_segment_sum_call()(srcp, dstp, x, zrow, zcnt)
    cnt3d = cntp.reshape(NW, NP)[:, :N].reshape(NW, _NBLK, _BR).transpose(1, 0, 2)
    return _dense(x, aggp, cnt3d, W_l.T, b_l, W_r.T, ln_gamma, ln_beta)

# --- scband reference (transcript-rebuilt; emitter-appended) ---
"""Pipeline reference for scband-res-block-36885179138564 (READ-ONLY COPY).

The authoritative reference and input builder live on the scoring server;
editing this copy changes nothing except your own understanding.
"""

import jax, jax.numpy as jnp
import numpy as np

N_NODES = 10000
N_EDGES = 320000
C = 128

def setup_inputs(seed: int = 0) -> dict:
    key = jax.random.key(seed)
    k_x, k_ei, k_wl, k_bl, k_wr, k_g, k_b = jax.random.split(key, 7)
    x = jax.random.normal(k_x, (N_NODES, C), dtype=jnp.float32)
    edge_index = jax.random.randint(k_ei, (2, N_EDGES), 0, N_NODES, dtype=jnp.int64)
    scale = 1.0 / np.sqrt(C)
    W_l = jax.random.uniform(k_wl, (C, C), jnp.float32, -scale, scale)
    b_l = jax.random.uniform(k_bl, (C,), jnp.float32, -scale, scale)
    W_r = jax.random.uniform(k_wr, (C, C), jnp.float32, -scale, scale)
    ln_gamma = jnp.ones((C,), jnp.float32)
    ln_beta = jnp.zeros((C,), jnp.float32)
    return {"x": x, "edge_index": edge_index, "W_l": W_l, "b_l": b_l, "W_r": W_r, "ln_gamma": ln_gamma, "ln_beta": ln_beta}

def reference(x, edge_index, W_l, b_l, W_r, ln_gamma, ln_beta):
    # SAGEConv with mean aggregation: out = lin_l(mean_{j in N(i)} x_j) + lin_r(x_i)
    src = edge_index[0]
    dst = edge_index[1]
    n = x.shape[0]
    msgs = jnp.take(x, src, axis=0)                      # gather x_j
    agg = jax.ops.segment_sum(msgs, dst, num_segments=n)  # scatter-add by dst
    cnt = jax.ops.segment_sum(jnp.ones((src.shape[0],), x.dtype), dst, num_segments=n)
    agg = agg / jnp.clip(cnt, 1.0, None)[:, None]         # mean aggregation
    conv_out = agg @ W_l.T + b_l + x @ W_r.T
    # LayerNorm over last dim
    mean = jnp.mean(conv_out, axis=-1, keepdims=True)
    var = jnp.var(conv_out, axis=-1, keepdims=True)
    normed = (conv_out - mean) / jnp.sqrt(var + 1e-5) * ln_gamma + ln_beta
    # residual + relu
    return x + jax.nn.relu(normed)

if __name__ == "__main__":
    import jax
    _d = setup_inputs()
    print(jax.jit(kernel)(*tuple(_d.values())))

</pallas_src>

<mosaic_0001>
#map = affine_map<(d0, d1) -> (0)>
#map1 = affine_map<(d0, d1) -> (0, 0)>
module attributes {stable_mosaic.version = 14 : i64} {
  func.func @_sc_segment_sum(%arg0: i32, %arg1: i32, %arg2: memref<320256xi32, #tpu.memory_space<hbm>>, %arg3: memref<320256xi32, #tpu.memory_space<hbm>>, %arg4: memref<10000x128xf32, #tpu.memory_space<hbm>>, %arg5: memref<80x128xf32, #tpu.memory_space<hbm>>, %arg6: memref<10240xf32, #tpu.memory_space<hbm>>, %arg7: memref<20000x128xf32, #tpu.memory_space<hbm>>, %arg8: memref<327680xf32, #tpu.memory_space<hbm>>, %arg9: memref<128xi32, #tpu.memory_space<vmem>>, %arg10: memref<128xi32, #tpu.memory_space<vmem>>, %arg11: memref<128xi32, #tpu.memory_space<vmem>>, %arg12: memref<128xi32, #tpu.memory_space<vmem>>, %arg13: memref<128x128xf32, #tpu.memory_space<vmem>>, %arg14: memref<128x128xf32, #tpu.memory_space<vmem>>, %arg15: memref<16xi32, #tpu.memory_space<vmem>>, %arg16: memref<16xi32, #tpu.memory_space<vmem>>, %arg17: memref<16x128xf32, #tpu.memory_space<vmem>>, %arg18: memref<10240xf32, #tpu.memory_space<vmem>>, %arg19: memref<10000x128xf32, #tpu.memory_space<vmem_shared>>, %arg20: memref<!tpu.dma_semaphore, #tpu.memory_space<semaphore_mem>>, %arg21: memref<!tpu.dma_semaphore, #tpu.memory_space<semaphore_mem>>) attributes {dimension_semantics = [#tpu.dimension_semantics<core_parallel>, #tpu.dimension_semantics<subcore_parallel>], iteration_bounds = array<i64: 2, 16>, scalar_prefetch = 0 : i64, scratch_operands = 13 : i64, tpu.core_type = #tpu.core_type<sc_vector_subcore>, window_params = [{transform_indices = #map}, {transform_indices = #map}, {transform_indices = #map1}, {transform_indices = #map1}, {transform_indices = #map}, {transform_indices = #map1}, {transform_indices = #map}]} {
    %mul3A = arith.constant 2 : i32
    %mul3A_0 = arith.muli %arg1, %mul3A : i32
    %add3A = arith.addi %mul3A_0, %arg0 : i32
    "tpu.region"() ({
      %run_scoped3A = tpu.sem_alloc : memref<!tpu.dma_semaphore, #tpu.memory_space<semaphore_mem>>
      tpu.enqueue_dma source(%arg6 : memref<10240xf32, #tpu.memory_space<hbm>>) target(%arg18 : memref<10240xf32, #tpu.memory_space<vmem>>) target_semaphore(%run_scoped3A : memref<!tpu.dma_semaphore, #tpu.memory_space<semaphore_mem>>)
      tpu.wait_dma2 semaphore(%run_scoped3A : memref<!tpu.dma_semaphore, #tpu.memory_space<semaphore_mem>>) src(%arg6 : memref<10240xf32, #tpu.memory_space<hbm>>) dst(%arg18 : memref<10240xf32, #tpu.memory_space<vmem>>)
      tpu.yield
    }) : () -> ()
    %sub3A = arith.constant 125 : i32
    %sub3A_1 = arith.subi %sub3A, %arg1 : i32
    %sub3A_2 = arith.constant 16 : i32
    %sub3A_3 = arith.constant 1 : i32
    %sub3A_4 = arith.subi %sub3A_2, %sub3A_3 : i32
    %add3A_5 = arith.addi %sub3A_1, %sub3A_4 : i32
    %div3A = arith.constant 16 : i32
    %div3A_6 = arith.divsi %add3A_5, %div3A : i32
    %while3A = arith.constant 16 : i32
    %while3A_7 = arith.constant 0 : i32
    %while3A_8 = arith.subi %div3A_6, %while3A_7 : i32
    %while3A_9 = arith.addi %while3A_7, %while3A_8 : i32
    %while3A_10 = arith.constant 1 : i32
    %while3A_11 = arith.divsi %while3A_8, %while3A_10 : i32
    %while3A_12 = arith.muli %while3A_11, %while3A_10 : i32
    %while3A_13 = arith.addi %while3A_7, %while3A_12 : i32
    %while3A_14 = arith.constant 1 : i32
    scf.for %while3A_67 = %while3A_7 to %while3A_13 step %while3A_14  : i32 {
      %mul3A_68 = arith.muli %while3A_67, %while3A : i32
      %add3A_69 = arith.addi %arg1, %mul3A_68 : i32
      %mul3A_70 = arith.constant 80 : i32
      %mul3A_71 = arith.muli %add3A_69, %mul3A_70 : i32
      "tpu.region"() ({
        %run_scoped3A = tpu.sem_alloc : memref<!tpu.dma_semaphore, #tpu.memory_space<semaphore_mem>>
        %dma_start3A_72 = arith.constant 0 : i32
        %dma_start3A_73 = tpu.memref_slice %arg19[%mul3A_71, %dma_start3A_72] : memref<10000x128xf32, #tpu.memory_space<vmem_shared>> -> memref<80x128xf32, #tpu.memory_space<vmem_shared>>
        tpu.enqueue_dma source(%arg5 : memref<80x128xf32, #tpu.memory_space<hbm>>) target(%dma_start3A_73 : memref<80x128xf32, #tpu.memory_space<vmem_shared>>) target_semaphore(%run_scoped3A : memref<!tpu.dma_semaphore, #tpu.memory_space<semaphore_mem>>)
        %dma_wait3A_74 = arith.constant 0 : i32
        %dma_wait3A_75 = tpu.memref_slice %arg19[%mul3A_71, %dma_wait3A_74] : memref<10000x128xf32, #tpu.memory_space<vmem_shared>> -> memref<80x128xf32, #tpu.memory_space<vmem_shared>>
        tpu.wait_dma2 semaphore(%run_scoped3A : memref<!tpu.dma_semaphore, #tpu.memory_space<semaphore_mem>>) src(%arg5 : memref<80x128xf32, #tpu.memory_space<hbm>>) dst(%dma_wait3A_75 : memref<80x128xf32, #tpu.memory_space<vmem_shared>>)
        tpu.yield
      }) : () -> ()
    }
    %while3A_15 = arith.constant 1 : i32
    scf.for %while3A_67 = %while3A_13 to %while3A_9 step %while3A_15  : i32 {
      %mul3A_68 = arith.muli %while3A_67, %while3A : i32
      %add3A_69 = arith.addi %arg1, %mul3A_68 : i32
      %mul3A_70 = arith.constant 80 : i32
      %mul3A_71 = arith.muli %add3A_69, %mul3A_70 : i32
      "tpu.region"() ({
        %run_scoped3A = tpu.sem_alloc : memref<!tpu.dma_semaphore, #tpu.memory_space<semaphore_mem>>
        %dma_start3A_72 = arith.constant 0 : i32
        %dma_start3A_73 = tpu.memref_slice %arg19[%mul3A_71, %dma_start3A_72] : memref<10000x128xf32, #tpu.memory_space<vmem_shared>> -> memref<80x128xf32, #tpu.memory_space<vmem_shared>>
        tpu.enqueue_dma source(%arg5 : memref<80x128xf32, #tpu.memory_space<hbm>>) target(%dma_start3A_73 : memref<80x128xf32, #tpu.memory_space<vmem_shared>>) target_semaphore(%run_scoped3A : memref<!tpu.dma_semaphore, #tpu.memory_space<semaphore_mem>>)
        %dma_wait3A_74 = arith.constant 0 : i32
        %dma_wait3A_75 = tpu.memref_slice %arg19[%mul3A_71, %dma_wait3A_74] : memref<10000x128xf32, #tpu.memory_space<vmem_shared>> -> memref<80x128xf32, #tpu.memory_space<vmem_shared>>
        tpu.wait_dma2 semaphore(%run_scoped3A : memref<!tpu.dma_semaphore, #tpu.memory_space<semaphore_mem>>) src(%arg5 : memref<80x128xf32, #tpu.memory_space<hbm>>) dst(%dma_wait3A_75 : memref<80x128xf32, #tpu.memory_space<vmem_shared>>)
        tpu.yield
      }) : () -> ()
    }
    %barrier3A = arith.constant 0 : index
    tpu.barrier barrier_id(%barrier3A)
    %mul3A_16 = arith.constant 10000 : i32
    %mul3A_17 = arith.muli %add3A, %mul3A_16 : i32
    "tpu.region"() ({
      %run_scoped3A = tpu.sem_alloc : memref<!tpu.dma_semaphore, #tpu.memory_space<semaphore_mem>>
      %dma_start3A_67 = tpu.memref_slice %arg2[%mul3A_17] : memref<320256xi32, #tpu.memory_space<hbm>> -> memref<128xi32, #tpu.memory_space<hbm>>
      %dma_start3A_68 = tpu.memref_slice %arg2[%mul3A_17] : memref<320256xi32, #tpu.memory_space<hbm>> -> memref<128xi32, #tpu.memory_space<hbm>>
      tpu.enqueue_dma source(%dma_start3A_68 : memref<128xi32, #tpu.memory_space<hbm>>) target(%arg9 : memref<128xi32, #tpu.memory_space<vmem>>) target_semaphore(%run_scoped3A : memref<!tpu.dma_semaphore, #tpu.memory_space<semaphore_mem>>)
      %dma_wait3A_69 = tpu.memref_slice %arg2[%mul3A_17] : memref<320256xi32, #tpu.memory_space<hbm>> -> memref<128xi32, #tpu.memory_space<hbm>>
      %dma_wait3A_70 = tpu.memref_slice %arg2[%mul3A_17] : memref<320256xi32, #tpu.memory_space<hbm>> -> memref<128xi32, #tpu.memory_space<hbm>>
      tpu.wait_dma2 semaphore(%run_scoped3A : memref<!tpu.dma_semaphore, #tpu.memory_space<semaphore_mem>>) src(%dma_wait3A_70 : memref<128xi32, #tpu.memory_space<hbm>>) dst(%arg9 : memref<128xi32, #tpu.memory_space<vmem>>)
      tpu.yield
    }) : () -> ()
    "tpu.region"() ({
      %run_scoped3A = tpu.sem_alloc : memref<!tpu.dma_semaphore, #tpu.memory_space<semaphore_mem>>
      %dma_start3A_67 = tpu.memref_slice %arg3[%mul3A_17] : memref<320256xi32, #tpu.memory_space<hbm>> -> memref<128xi32, #tpu.memory_space<hbm>>
      %dma_start3A_68 = tpu.memref_slice %arg3[%mul3A_17] : memref<320256xi32, #tpu.memory_space<hbm>> -> memref<128xi32, #tpu.memory_space<hbm>>
      tpu.enqueue_dma source(%dma_start3A_68 : memref<128xi32, #tpu.memory_space<hbm>>) target(%arg10 : memref<128xi32, #tpu.memory_space<vmem>>) target_semaphore(%run_scoped3A : memref<!tpu.dma_semaphore, #tpu.memory_space<semaphore_mem>>)
      %dma_wait3A_69 = tpu.memref_slice %arg3[%mul3A_17] : memref<320256xi32, #tpu.memory_space<hbm>> -> memref<128xi32, #tpu.memory_space<hbm>>
      %dma_wait3A_70 = tpu.memref_slice %arg3[%mul3A_17] : memref<320256xi32, #tpu.memory_space<hbm>> -> memref<128xi32, #tpu.memory_space<hbm>>
      tpu.wait_dma2 semaphore(%run_scoped3A : memref<!tpu.dma_semaphore, #tpu.memory_space<semaphore_mem>>) src(%dma_wait3A_70 : memref<128xi32, #tpu.memory_space<hbm>>) dst(%arg10 : memref<128xi32, #tpu.memory_space<vmem>>)
      tpu.yield
    }) : () -> ()
    %dma_start3A = arith.constant 0 : i32
    %dma_start3A_18 = arith.constant 0 : i32
    %dma_start3A_19 = tpu.memref_slice %arg4[%dma_start3A, %dma_start3A_18] : memref<10000x128xf32, #tpu.memory_space<hbm>> -> memref<10000x128xf32, #tpu.memory_space<hbm>>
    tpu.enqueue_indirect_dma source(%dma_start3A_19 : memref<10000x128xf32, #tpu.memory_space<hbm>>) target(%arg13 : memref<128x128xf32, #tpu.memory_space<vmem>>) offsets(%arg9 : memref<128xi32, #tpu.memory_space<vmem>>) semaphore(%arg20 : memref<!tpu.dma_semaphore, #tpu.memory_space<semaphore_mem>>)
    %add3A_20 = arith.constant 128 : i32
    %add3A_21 = arith.addi %mul3A_17, %add3A_20 : i32
    "tpu.region"() ({
      %run_scoped3A = tpu.sem_alloc : memref<!tpu.dma_semaphore, #tpu.memory_space<semaphore_mem>>
      %dma_start3A_67 = tpu.memref_slice %arg2[%add3A_21] : memref<320256xi32, #tpu.memory_space<hbm>> -> memref<128xi32, #tpu.memory_space<hbm>>
      %dma_start3A_68 = tpu.memref_slice %arg2[%add3A_21] : memref<320256xi32, #tpu.memory_space<hbm>> -> memref<128xi32, #tpu.memory_space<hbm>>
      tpu.enqueue_dma source(%dma_start3A_68 : memref<128xi32, #tpu.memory_space<hbm>>) target(%arg11 : memref<128xi32, #tpu.memory_space<vmem>>) target_semaphore(%run_scoped3A : memref<!tpu.dma_semaphore, #tpu.memory_space<semaphore_mem>>)
      %dma_wait3A_69 = tpu.memref_slice %arg2[%add3A_21] : memref<320256xi32, #tpu.memory_space<hbm>> -> memref<128xi32, #tpu.memory_space<hbm>>
      %dma_wait3A_70 = tpu.memref_slice %arg2[%add3A_21] : memref<320256xi32, #tpu.memory_space<hbm>> -> memref<128xi32, #tpu.memory_space<hbm>>
      tpu.wait_dma2 semaphore(%run_scoped3A : memref<!tpu.dma_semaphore, #tpu.memory_space<semaphore_mem>>) src(%dma_wait3A_70 : memref<128xi32, #tpu.memory_space<hbm>>) dst(%arg11 : memref<128xi32, #tpu.memory_space<vmem>>)
      tpu.yield
    }) : () -> ()
    %add3A_22 = arith.constant 128 : i32
    %add3A_23 = arith.addi %mul3A_17, %add3A_22 : i32
    "tpu.region"() ({
      %run_scoped3A = tpu.sem_alloc : memref<!tpu.dma_semaphore, #tpu.memory_space<semaphore_mem>>
      %dma_start3A_67 = tpu.memref_slice %arg3[%add3A_23] : memref<320256xi32, #tpu.memory_space<hbm>> -> memref<128xi32, #tpu.memory_space<hbm>>
      %dma_start3A_68 = tpu.memref_slice %arg3[%add3A_23] : memref<320256xi32, #tpu.memory_space<hbm>> -> memref<128xi32, #tpu.memory_space<hbm>>
      tpu.enqueue_dma source(%dma_start3A_68 : memref<128xi32, #tpu.memory_space<hbm>>) target(%arg12 : memref<128xi32, #tpu.memory_space<vmem>>) target_semaphore(%run_scoped3A : memref<!tpu.dma_semaphore, #tpu.memory_space<semaphore_mem>>)
      %dma_wait3A_69 = tpu.memref_slice %arg3[%add3A_23] : memref<320256xi32, #tpu.memory_space<hbm>> -> memref<128xi32, #tpu.memory_space<hbm>>
      %dma_wait3A_70 = tpu.memref_slice %arg3[%add3A_23] : memref<320256xi32, #tpu.memory_space<hbm>> -> memref<128xi32, #tpu.memory_space<hbm>>
      tpu.wait_dma2 semaphore(%run_scoped3A : memref<!tpu.dma_semaphore, #tpu.memory_space<semaphore_mem>>) src(%dma_wait3A_70 : memref<128xi32, #tpu.memory_space<hbm>>) dst(%arg12 : memref<128xi32, #tpu.memory_space<vmem>>)
      tpu.yield
    }) : () -> ()
    %dma_start3A_24 = arith.constant 0 : i32
    %dma_start3A_25 = arith.constant 0 : i32
    %dma_start3A_26 = tpu.memref_slice %arg4[%dma_start3A_24, %dma_start3A_25] : memref<10000x128xf32, #tpu.memory_space<hbm>> -> memref<10000x128xf32, #tpu.memory_space<hbm>>
    tpu.enqueue_indirect_dma source(%dma_start3A_26 : memref<10000x128xf32, #tpu.memory_space<hbm>>) target(%arg14 : memref<128x128xf32, #tpu.memory_space<vmem>>) offsets(%arg11 : memref<128xi32, #tpu.memory_space<vmem>>) semaphore(%arg21 : memref<!tpu.dma_semaphore, #tpu.memory_space<semaphore_mem>>)
    %broadcast_in_dim3A = arith.constant 1.000000e+00 : f32
    %broadcast_in_dim3A_27 = vector.broadcast %broadcast_in_dim3A : f32 to vector<16xf32>
    %scan3A = arith.constant 0 : i32
    %scan3A_28 = arith.constant 39 : i32
    %scan3A_29 = arith.addi %scan3A, %scan3A_28 : i32
    %scan3A_30 = arith.constant 1 : i32
    scf.for %scan3A_67 = %scan3A to %scan3A_29 step %scan3A_30  : i32 {
      %mul3A_68 = arith.constant 1 : i32
      %mul3A_69 = arith.muli %scan3A_67, %mul3A_68 : i32
      %add3A_70 = arith.constant 0 : i32
      %add3A_71 = arith.addi %add3A_70, %mul3A_69 : i32
      %mul3A_72 = arith.constant 2 : i32
      %mul3A_73 = arith.muli %mul3A_72, %add3A_71 : i32
      %mul3A_74 = arith.constant 128 : i32
      %mul3A_75 = arith.muli %mul3A_73, %mul3A_74 : i32
      %add3A_76 = arith.addi %mul3A_17, %mul3A_75 : i32
      %dma_wait3A_77 = arith.constant 0 : i32
      %dma_wait3A_78 = arith.constant 0 : i32
      %dma_wait3A_79 = tpu.memref_slice %arg4[%dma_wait3A_77, %dma_wait3A_78] : memref<10000x128xf32, #tpu.memory_space<hbm>> -> memref<10000x128xf32, #tpu.memory_space<hbm>>
      tpu.wait_indirect_dma semaphore(%arg20 : memref<!tpu.dma_semaphore, #tpu.memory_space<semaphore_mem>>) src(%dma_wait3A_79 : memref<10000x128xf32, #tpu.memory_space<hbm>>) dst(%arg13 : memref<128x128xf32, #tpu.memory_space<vmem>>)
      "tpu.region"() ({
        %run_scoped3A = tpu.sem_alloc : memref<!tpu.dma_semaphore, #tpu.memory_space<semaphore_mem>>
        %dma_start3A_125 = arith.constant 0 : i32
        %dma_start3A_126 = arith.constant 0 : i32
        %dma_start3A_127 = tpu.memref_slice %arg19[%dma_start3A_125, %dma_start3A_126] : memref<10000x128xf32, #tpu.memory_space<vmem_shared>> -> memref<10000x128xf32, #tpu.memory_space<vmem_shared>>
        tpu.enqueue_indirect_dma source(%arg13 : memref<128x128xf32, #tpu.memory_space<vmem>>) target(%dma_start3A_127 : memref<10000x128xf32, #tpu.memory_space<vmem_shared>>) offsets(%arg10 : memref<128xi32, #tpu.memory_space<vmem>>) semaphore(%run_scoped3A : memref<!tpu.dma_semaphore, #tpu.memory_space<semaphore_mem>>) {add = true}
        %dma_wait3A_128 = arith.constant 0 : i32
        %dma_wait3A_129 = arith.constant 0 : i32
        %dma_wait3A_130 = tpu.memref_slice %arg19[%dma_wait3A_128, %dma_wait3A_129] : memref<10000x128xf32, #tpu.memory_space<vmem_shared>> -> memref<10000x128xf32, #tpu.memory_space<vmem_shared>>
        tpu.wait_indirect_dma semaphore(%run_scoped3A : memref<!tpu.dma_semaphore, #tpu.memory_space<semaphore_mem>>) src(%arg13 : memref<128x128xf32, #tpu.memory_space<vmem>>) dst(%dma_wait3A_130 : memref<10000x128xf32, #tpu.memory_space<vmem_shared>>)
        tpu.yield
      }) : () -> ()
      %get3A_80 = arith.constant 0 : index
      %get3A_81 = tpu.vector_load %arg10[%get3A_80] {strides = array<i32>} : memref<128xi32, #tpu.memory_space<vmem>>, vector<16xi32>,
      tpu.vector_store_idx %arg18[%get3A_81], %broadcast_in_dim3A_27 {add = true} : memref<10240xf32, #tpu.memory_space<vmem>>[vector<16xi32>], vector<16xf32>,
      %get3A_82 = arith.constant 16 : index
      %get3A_83 = tpu.vector_load %arg10[%get3A_82] {strides = array<i32>} : memref<128xi32, #tpu.memory_space<vmem>>, vector<16xi32>,
      tpu.vector_store_idx %arg18[%get3A_83], %broadcast_in_dim3A_27 {add = true} : memref<10240xf32, #tpu.memory_space<vmem>>[vector<16xi32>], vector<16xf32>,
      %get3A_84 = arith.constant 32 : index
      %get3A_85 = tpu.vector_load %arg10[%get3A_84] {strides = array<i32>} : memref<128xi32, #tpu.memory_space<vmem>>, vector<16xi32>,
      tpu.vector_store_idx %arg18[%get3A_85], %broadcast_in_dim3A_27 {add = true} : memref<10240xf32, #tpu.memory_space<vmem>>[vector<16xi32>], vector<16xf32>,
      %get3A_86 = arith.constant 48 : index
      %get3A_87 = tpu.vector_load %arg10[%get3A_86] {strides = array<i32>} : memref<128xi32, #tpu.memory_space<vmem>>, vector<16xi32>,
      tpu.vector_store_idx %arg18[%get3A_87], %broadcast_in_dim3A_27 {add = true} : memref<10240xf32, #tpu.memory_space<vmem>>[vector<16xi32>], vector<16xf32>,
      %get3A_88 = arith.constant 64 : index
      %get3A_89 = tpu.vector_load %arg10[%get3A_88] {strides = array<i32>} : memref<128xi32, #tpu.memory_space<vmem>>, vector<16xi32>,
      tpu.vector_store_idx %arg18[%get3A_89], %broadcast_in_dim3A_27 {add = true} : memref<10240xf32, #tpu.memory_space<vmem>>[vector<16xi32>], vector<16xf32>,
      %get3A_90 = arith.constant 80 : index
      %get3A_91 = tpu.vector_load %arg10[%get3A_90] {strides = array<i32>} : memref<128xi32, #tpu.memory_space<vmem>>, vector<16xi32>,
      tpu.vector_store_idx %arg18[%get3A_91], %broadcast_in_dim3A_27 {add = true} : memref<10240xf32, #tpu.memory_space<vmem>>[vector<16xi32>], vector<16xf32>,
      %get3A_92 = arith.constant 96 : index
      %get3A_93 = tpu.vector_load %arg10[%get3A_92] {strides = array<i32>} : memref<128xi32, #tpu.memory_space<vmem>>, vector<16xi32>,
      tpu.vector_store_idx %arg18[%get3A_93], %broadcast_in_dim3A_27 {add = true} : memref<10240xf32, #tpu.memory_space<vmem>>[vector<16xi32>], vector<16xf32>,
      %get3A_94 = arith.constant 112 : index
      %get3A_95 = tpu.vector_load %arg10[%get3A_94] {strides = array<i32>} : memref<128xi32, #tpu.memory_space<vmem>>, vector<16xi32>,
      tpu.vector_store_idx %arg18[%get3A_95], %broadcast_in_dim3A_27 {add = true} : memref<10240xf32, #tpu.memory_space<vmem>>[vector<16xi32>], vector<16xf32>,
      %add3A_96 = arith.constant 256 : i32
      %add3A_97 = arith.addi %add3A_76, %add3A_96 : i32
      "tpu.region"() ({
        %run_scoped3A = tpu.sem_alloc : memref<!tpu.dma_semaphore, #tpu.memory_space<semaphore_mem>>
        %dma_start3A_125 = tpu.memref_slice %arg2[%add3A_97] : memref<320256xi32, #tpu.memory_space<hbm>> -> memref<128xi32, #tpu.memory_space<hbm>>
        %dma_start3A_126 = tpu.memref_slice %arg2[%add3A_97] : memref<320256xi32, #tpu.memory_space<hbm>> -> memref<128xi32, #tpu.memory_space<hbm>>
        tpu.enqueue_dma source(%dma_start3A_126 : memref<128xi32, #tpu.memory_space<hbm>>) target(%arg9 : memref<128xi32, #tpu.memory_space<vmem>>) target_semaphore(%run_scoped3A : memref<!tpu.dma_semaphore, #tpu.memory_space<semaphore_mem>>)
        %dma_wait3A_127 = tpu.memref_slice %arg2[%add3A_97] : memref<320256xi32, #tpu.memory_space<hbm>> -> memref<128xi32, #tpu.memory_space<hbm>>
        %dma_wait3A_128 = tpu.memref_slice %arg2[%add3A_97] : memref<320256xi32, #tpu.memory_space<hbm>> -> memref<128xi32, #tpu.memory_space<hbm>>
        tpu.wait_dma2 semaphore(%run_scoped3A : memref<!tpu.dma_semaphore, #tpu.memory_space<semaphore_mem>>) src(%dma_wait3A_128 : memref<128xi32, #tpu.memory_space<hbm>>) dst(%arg9 : memref<128xi32, #tpu.memory_space<vmem>>)
        tpu.yield
      }) : () -> ()
      "tpu.region"() ({
        %run_scoped3A = tpu.sem_alloc : memref<!tpu.dma_semaphore, #tpu.memory_space<semaphore_mem>>
        %dma_start3A_125 = tpu.memref_slice %arg3[%add3A_97] : memref<320256xi32, #tpu.memory_space<hbm>> -> memref<128xi32, #tpu.memory_space<hbm>>
        %dma_start3A_126 = tpu.memref_slice %arg3[%add3A_97] : memref<320256xi32, #tpu.memory_space<hbm>> -> memref<128xi32, #tpu.memory_space<hbm>>
        tpu.enqueue_dma source(%dma_start3A_126 : memref<128xi32, #tpu.memory_space<hbm>>) target(%arg10 : memref<128xi32, #tpu.memory_space<vmem>>) target_semaphore(%run_scoped3A : memref<!tpu.dma_semaphore, #tpu.memory_space<semaphore_mem>>)
        %dma_wait3A_127 = tpu.memref_slice %arg3[%add3A_97] : memref<320256xi32, #tpu.memory_space<hbm>> -> memref<128xi32, #tpu.memory_space<hbm>>
        %dma_wait3A_128 = tpu.memref_slice %arg3[%add3A_97] : memref<320256xi32, #tpu.memory_space<hbm>> -> memref<128xi32, #tpu.memory_space<hbm>>
        tpu.wait_dma2 semaphore(%run_scoped3A : memref<!tpu.dma_semaphore, #tpu.memory_space<semaphore_mem>>) src(%dma_wait3A_128 : memref<128xi32, #tpu.memory_space<hbm>>) dst(%arg10 : memref<128xi32, #tpu.memory_space<vmem>>)
        tpu.yield
      }) : () -> ()
      %dma_start3A_98 = arith.constant 0 : i32
      %dma_start3A_99 = arith.constant 0 : i32
      %dma_start3A_100 = tpu.memref_slice %arg4[%dma_start3A_98, %dma_start3A_99] : memref<10000x128xf32, #tpu.memory_space<hbm>> -> memref<10000x128xf32, #tpu.memory_space<hbm>>
      tpu.enqueue_indirect_dma source(%dma_start3A_100 : memref<10000x128xf32, #tpu.memory_space<hbm>>) target(%arg13 : memref<128x128xf32, #tpu.memory_space<vmem>>) offsets(%arg9 : memref<128xi32, #tpu.memory_space<vmem>>) semaphore(%arg20 : memref<!tpu.dma_semaphore, #tpu.memory_space<semaphore_mem>>)
      %dma_wait3A_101 = arith.constant 0 : i32
      %dma_wait3A_102 = arith.constant 0 : i32
      %dma_wait3A_103 = tpu.memref_slice %arg4[%dma_wait3A_101, %dma_wait3A_102] : memref<10000x128xf32, #tpu.memory_space<hbm>> -> memref<10000x128xf32, #tpu.memory_space<hbm>>
      tpu.wait_indirect_dma semaphore(%arg21 : memref<!tpu.dma_semaphore, #tpu.memory_space<semaphore_mem>>) src(%dma_wait3A_103 : memref<10000x128xf32, #tpu.memory_space<hbm>>) dst(%arg14 : memref<128x128xf32, #tpu.memory_space<vmem>>)
      "tpu.region"() ({
        %run_scoped3A = tpu.sem_alloc : memref<!tpu.dma_semaphore, #tpu.memory_space<semaphore_mem>>
        %dma_start3A_125 = arith.constant 0 : i32
        %dma_start3A_126 = arith.constant 0 : i32
        %dma_start3A_127 = tpu.memref_slice %arg19[%dma_start3A_125, %dma_start3A_126] : memref<10000x128xf32, #tpu.memory_space<vmem_shared>> -> memref<10000x128xf32, #tpu.memory_space<vmem_shared>>
        tpu.enqueue_indirect_dma source(%arg14 : memref<128x128xf32, #tpu.memory_space<vmem>>) target(%dma_start3A_127 : memref<10000x128xf32, #tpu.memory_space<vmem_shared>>) offsets(%arg12 : memref<128xi32, #tpu.memory_space<vmem>>) semaphore(%run_scoped3A : memref<!tpu.dma_semaphore, #tpu.memory_space<semaphore_mem>>) {add = true}
        %dma_wait3A_128 = arith.constant 0 : i32
        %dma_wait3A_129 = arith.constant 0 : i32
        %dma_wait3A_130 = tpu.memref_slice %arg19[%dma_wait3A_128, %dma_wait3A_129] : memref<10000x128xf32, #tpu.memory_space<vmem_shared>> -> memref<10000x128xf32, #tpu.memory_space<vmem_shared>>
        tpu.wait_indirect_dma semaphore(%run_scoped3A : memref<!tpu.dma_semaphore, #tpu.memory_space<semaphore_mem>>) src(%arg14 : memref<128x128xf32, #tpu.memory_space<vmem>>) dst(%dma_wait3A_130 : memref<10000x128xf32, #tpu.memory_space<vmem_shared>>)
        tpu.yield
      }) : () -> ()
      %get3A_104 = arith.constant 0 : index
      %get3A_105 = tpu.vector_load %arg12[%get3A_104] {strides = array<i32>} : memref<128xi32, #tpu.memory_space<vmem>>, vector<16xi32>,
      tpu.vector_store_idx %arg18[%get3A_105], %broadcast_in_dim3A_27 {add = true} : memref<10240xf32, #tpu.memory_space<vmem>>[vector<16xi32>], vector<16xf32>,
      %get3A_106 = arith.constant 16 : index
      %get3A_107 = tpu.vector_load %arg12[%get3A_106] {strides = array<i32>} : memref<128xi32, #tpu.memory_space<vmem>>, vector<16xi32>,
      tpu.vector_store_idx %arg18[%get3A_107], %broadcast_in_dim3A_27 {add = true} : memref<10240xf32, #tpu.memory_space<vmem>>[vector<16xi32>], vector<16xf32>,
      %get3A_108 = arith.constant 32 : index
      %get3A_109 = tpu.vector_load %arg12[%get3A_108] {strides = array<i32>} : memref<128xi32, #tpu.memory_space<vmem>>, vector<16xi32>,
      tpu.vector_store_idx %arg18[%get3A_109], %broadcast_in_dim3A_27 {add = true} : memref<10240xf32, #tpu.memory_space<vmem>>[vector<16xi32>], vector<16xf32>,
      %get3A_110 = arith.constant 48 : index
      %get3A_111 = tpu.vector_load %arg12[%get3A_110] {strides = array<i32>} : memref<128xi32, #tpu.memory_space<vmem>>, vector<16xi32>,
      tpu.vector_store_idx %arg18[%get3A_111], %broadcast_in_dim3A_27 {add = true} : memref<10240xf32, #tpu.memory_space<vmem>>[vector<16xi32>], vector<16xf32>,
      %get3A_112 = arith.constant 64 : index
      %get3A_113 = tpu.vector_load %arg12[%get3A_112] {strides = array<i32>} : memref<128xi32, #tpu.memory_space<vmem>>, vector<16xi32>,
      tpu.vector_store_idx %arg18[%get3A_113], %broadcast_in_dim3A_27 {add = true} : memref<10240xf32, #tpu.memory_space<vmem>>[vector<16xi32>], vector<16xf32>,
      %get3A_114 = arith.constant 80 : index
      %get3A_115 = tpu.vector_load %arg12[%get3A_114] {strides = array<i32>} : memref<128xi32, #tpu.memory_space<vmem>>, vector<16xi32>,
      tpu.vector_store_idx %arg18[%get3A_115], %broadcast_in_dim3A_27 {add = true} : memref<10240xf32, #tpu.memory_space<vmem>>[vector<16xi32>], vector<16xf32>,
      %get3A_116 = arith.constant 96 : index
      %get3A_117 = tpu.vector_load %arg12[%get3A_116] {strides = array<i32>} : memref<128xi32, #tpu.memory_space<vmem>>, vector<16xi32>,
      tpu.vector_store_idx %arg18[%get3A_117], %broadcast_in_dim3A_27 {add = true} : memref<10240xf32, #tpu.memory_space<vmem>>[vector<16xi32>], vector<16xf32>,
      %get3A_118 = arith.constant 112 : index
      %get3A_119 = tpu.vector_load %arg12[%get3A_118] {strides = array<i32>} : memref<128xi32, #tpu.memory_space<vmem>>, vector<16xi32>,
      tpu.vector_store_idx %arg18[%get3A_119], %broadcast_in_dim3A_27 {add = true} : memref<10240xf32, #tpu.memory_space<vmem>>[vector<16xi32>], vector<16xf32>,
      %add3A_120 = arith.constant 384 : i32
      %add3A_121 = arith.addi %add3A_76, %add3A_120 : i32
      "tpu.region"() ({
        %run_scoped3A = tpu.sem_alloc : memref<!tpu.dma_semaphore, #tpu.memory_space<semaphore_mem>>
        %dma_start3A_125 = tpu.memref_slice %arg2[%add3A_121] : memref<320256xi32, #tpu.memory_space<hbm>> -> memref<128xi32, #tpu.memory_space<hbm>>
        %dma_start3A_126 = tpu.memref_slice %arg2[%add3A_121] : memref<320256xi32, #tpu.memory_space<hbm>> -> memref<128xi32, #tpu.memory_space<hbm>>
        tpu.enqueue_dma source(%dma_start3A_126 : memref<128xi32, #tpu.memory_space<hbm>>) target(%arg11 : memref<128xi32, #tpu.memory_space<vmem>>) target_semaphore(%run_scoped3A : memref<!tpu.dma_semaphore, #tpu.memory_space<semaphore_mem>>)
        %dma_wait3A_127 = tpu.memref_slice %arg2[%add3A_121] : memref<320256xi32, #tpu.memory_space<hbm>> -> memref<128xi32, #tpu.memory_space<hbm>>
        %dma_wait3A_128 = tpu.memref_slice %arg2[%add3A_121] : memref<320256xi32, #tpu.memory_space<hbm>> -> memref<128xi32, #tpu.memory_space<hbm>>
        tpu.wait_dma2 semaphore(%run_scoped3A : memref<!tpu.dma_semaphore, #tpu.memory_space<semaphore_mem>>) src(%dma_wait3A_128 : memref<128xi32, #tpu.memory_space<hbm>>) dst(%arg11 : memref<128xi32, #tpu.memory_space<vmem>>)
        tpu.yield
      }) : () -> ()
      "tpu.region"() ({
        %run_scoped3A = tpu.sem_alloc : memref<!tpu.dma_semaphore, #tpu.memory_space<semaphore_mem>>
        %dma_start3A_125 = tpu.memref_slice %arg3[%add3A_121] : memref<320256xi32, #tpu.memory_space<hbm>> -> memref<128xi32, #tpu.memory_space<hbm>>
        %dma_start3A_126 = tpu.memref_slice %arg3[%add3A_121] : memref<320256xi32, #tpu.memory_space<hbm>> -> memref<128xi32, #tpu.memory_space<hbm>>
        tpu.enqueue_dma source(%dma_start3A_126 : memref<128xi32, #tpu.memory_space<hbm>>) target(%arg12 : memref<128xi32, #tpu.memory_space<vmem>>) target_semaphore(%run_scoped3A : memref<!tpu.dma_semaphore, #tpu.memory_space<semaphore_mem>>)
        %dma_wait3A_127 = tpu.memref_slice %arg3[%add3A_121] : memref<320256xi32, #tpu.memory_space<hbm>> -> memref<128xi32, #tpu.memory_space<hbm>>
        %dma_wait3A_128 = tpu.memref_slice %arg3[%add3A_121] : memref<320256xi32, #tpu.memory_space<hbm>> -> memref<128xi32, #tpu.memory_space<hbm>>
        tpu.wait_dma2 semaphore(%run_scoped3A : memref<!tpu.dma_semaphore, #tpu.memory_space<semaphore_mem>>) src(%dma_wait3A_128 : memref<128xi32, #tpu.memory_space<hbm>>) dst(%arg12 : memref<128xi32, #tpu.memory_space<vmem>>)
        tpu.yield
      }) : () -> ()
      %dma_start3A_122 = arith.constant 0 : i32
      %dma_start3A_123 = arith.constant 0 : i32
      %dma_start3A_124 = tpu.memref_slice %arg4[%dma_start3A_122, %dma_start3A_123] : memref<10000x128xf32, #tpu.memory_space<hbm>> -> memref<10000x128xf32, #tpu.memory_space<hbm>>
      tpu.enqueue_indirect_dma source(%dma_start3A_124 : memref<10000x128xf32, #tpu.memory_space<hbm>>) target(%arg14 : memref<128x128xf32, #tpu.memory_space<vmem>>) offsets(%arg11 : memref<128xi32, #tpu.memory_space<vmem>>) semaphore(%arg21 : memref<!tpu.dma_semaphore, #tpu.memory_space<semaphore_mem>>)
    }
    %scan3A_31 = arith.constant 39 : i32
    %dma_wait3A = arith.constant 0 : i32
    %dma_wait3A_32 = arith.constant 0 : i32
    %dma_wait3A_33 = tpu.memref_slice %arg4[%dma_wait3A, %dma_wait3A_32] : memref<10000x128xf32, #tpu.memory_space<hbm>> -> memref<10000x128xf32, #tpu.memory_space<hbm>>
    tpu.wait_indirect_dma semaphore(%arg20 : memref<!tpu.dma_semaphore, #tpu.memory_space<semaphore_mem>>) src(%dma_wait3A_33 : memref<10000x128xf32, #tpu.memory_space<hbm>>) dst(%arg13 : memref<128x128xf32, #tpu.memory_space<vmem>>)
    %dma_wait3A_34 = arith.constant 0 : i32
    %dma_wait3A_35 = arith.constant 0 : i32
    %dma_wait3A_36 = tpu.memref_slice %arg4[%dma_wait3A_34, %dma_wait3A_35] : memref<10000x128xf32, #tpu.memory_space<hbm>> -> memref<10000x128xf32, #tpu.memory_space<hbm>>
    tpu.wait_indirect_dma semaphore(%arg21 : memref<!tpu.dma_semaphore, #tpu.memory_space<semaphore_mem>>) src(%dma_wait3A_36 : memref<10000x128xf32, #tpu.memory_space<hbm>>) dst(%arg14 : memref<128x128xf32, #tpu.memory_space<vmem>>)
    %add3A_37 = arith.constant 9984 : i32
    %add3A_38 = arith.addi %mul3A_17, %add3A_37 : i32
    "tpu.region"() ({
      %run_scoped3A = tpu.sem_alloc : memref<!tpu.dma_semaphore, #tpu.memory_space<semaphore_mem>>
      %dma_start3A_67 = tpu.memref_slice %arg2[%add3A_38] : memref<320256xi32, #tpu.memory_space<hbm>> -> memref<16xi32, #tpu.memory_space<hbm>>
      %dma_start3A_68 = tpu.memref_slice %arg2[%add3A_38] : memref<320256xi32, #tpu.memory_space<hbm>> -> memref<16xi32, #tpu.memory_space<hbm>>
      tpu.enqueue_dma source(%dma_start3A_68 : memref<16xi32, #tpu.memory_space<hbm>>) target(%arg15 : memref<16xi32, #tpu.memory_space<vmem>>) target_semaphore(%run_scoped3A : memref<!tpu.dma_semaphore, #tpu.memory_space<semaphore_mem>>)
      %dma_wait3A_69 = tpu.memref_slice %arg2[%add3A_38] : memref<320256xi32, #tpu.memory_space<hbm>> -> memref<16xi32, #tpu.memory_space<hbm>>
      %dma_wait3A_70 = tpu.memref_slice %arg2[%add3A_38] : memref<320256xi32, #tpu.memory_space<hbm>> -> memref<16xi32, #tpu.memory_space<hbm>>
      tpu.wait_dma2 semaphore(%run_scoped3A : memref<!tpu.dma_semaphore, #tpu.memory_space<semaphore_mem>>) src(%dma_wait3A_70 : memref<16xi32, #tpu.memory_space<hbm>>) dst(%arg15 : memref<16xi32, #tpu.memory_space<vmem>>)
      tpu.yield
    }) : () -> ()
    "tpu.region"() ({
      %run_scoped3A = tpu.sem_alloc : memref<!tpu.dma_semaphore, #tpu.memory_space<semaphore_mem>>
      %dma_start3A_67 = tpu.memref_slice %arg3[%add3A_38] : memref<320256xi32, #tpu.memory_space<hbm>> -> memref<16xi32, #tpu.memory_space<hbm>>
      %dma_start3A_68 = tpu.memref_slice %arg3[%add3A_38] : memref<320256xi32, #tpu.memory_space<hbm>> -> memref<16xi32, #tpu.memory_space<hbm>>
      tpu.enqueue_dma source(%dma_start3A_68 : memref<16xi32, #tpu.memory_space<hbm>>) target(%arg16 : memref<16xi32, #tpu.memory_space<vmem>>) target_semaphore(%run_scoped3A : memref<!tpu.dma_semaphore, #tpu.memory_space<semaphore_mem>>)
      %dma_wait3A_69 = tpu.memref_slice %arg3[%add3A_38] : memref<320256xi32, #tpu.memory_space<hbm>> -> memref<16xi32, #tpu.memory_space<hbm>>
      %dma_wait3A_70 = tpu.memref_slice %arg3[%add3A_38] : memref<320256xi32, #tpu.memory_space<hbm>> -> memref<16xi32, #tpu.memory_space<hbm>>
      tpu.wait_dma2 semaphore(%run_scoped3A : memref<!tpu.dma_semaphore, #tpu.memory_space<semaphore_mem>>) src(%dma_wait3A_70 : memref<16xi32, #tpu.memory_space<hbm>>) dst(%arg16 : memref<16xi32, #tpu.memory_space<vmem>>)
      tpu.yield
    }) : () -> ()
    %dma_start3A_39 = arith.constant 0 : i32
    %dma_start3A_40 = arith.constant 0 : i32
    %dma_start3A_41 = tpu.memref_slice %arg4[%dma_start3A_39, %dma_start3A_40] : memref<10000x128xf32, #tpu.memory_space<hbm>> -> memref<10000x128xf32, #tpu.memory_space<hbm>>
    tpu.enqueue_indirect_dma source(%dma_start3A_41 : memref<10000x128xf32, #tpu.memory_space<hbm>>) target(%arg17 : memref<16x128xf32, #tpu.memory_space<vmem>>) offsets(%arg15 : memref<16xi32, #tpu.memory_space<vmem>>) semaphore(%arg20 : memref<!tpu.dma_semaphore, #tpu.memory_space<semaphore_mem>>)
    %dma_wait3A_42 = arith.constant 0 : i32
    %dma_wait3A_43 = arith.constant 0 : i32
    %dma_wait3A_44 = tpu.memref_slice %arg4[%dma_wait3A_42, %dma_wait3A_43] : memref<10000x128xf32, #tpu.memory_space<hbm>> -> memref<10000x128xf32, #tpu.memory_space<hbm>>
    tpu.wait_indirect_dma semaphore(%arg20 : memref<!tpu.dma_semaphore, #tpu.memory_space<semaphore_mem>>) src(%dma_wait3A_44 : memref<10000x128xf32, #tpu.memory_space<hbm>>) dst(%arg17 : memref<16x128xf32, #tpu.memory_space<vmem>>)
    "tpu.region"() ({
      %run_scoped3A = tpu.sem_alloc : memref<!tpu.dma_semaphore, #tpu.memory_space<semaphore_mem>>
      %dma_start3A_67 = arith.constant 0 : i32
      %dma_start3A_68 = arith.constant 0 : i32
      %dma_start3A_69 = tpu.memref_slice %arg19[%dma_start3A_67, %dma_start3A_68] : memref<10000x128xf32, #tpu.memory_space<vmem_shared>> -> memref<10000x128xf32, #tpu.memory_space<vmem_shared>>
      tpu.enqueue_indirect_dma source(%arg17 : memref<16x128xf32, #tpu.memory_space<vmem>>) target(%dma_start3A_69 : memref<10000x128xf32, #tpu.memory_space<vmem_shared>>) offsets(%arg16 : memref<16xi32, #tpu.memory_space<vmem>>) semaphore(%run_scoped3A : memref<!tpu.dma_semaphore, #tpu.memory_space<semaphore_mem>>) {add = true}
      %dma_wait3A_70 = arith.constant 0 : i32
      %dma_wait3A_71 = arith.constant 0 : i32
      %dma_wait3A_72 = tpu.memref_slice %arg19[%dma_wait3A_70, %dma_wait3A_71] : memref<10000x128xf32, #tpu.memory_space<vmem_shared>> -> memref<10000x128xf32, #tpu.memory_space<vmem_shared>>
      tpu.wait_indirect_dma semaphore(%run_scoped3A : memref<!tpu.dma_semaphore, #tpu.memory_space<semaphore_mem>>) src(%arg17 : memref<16x128xf32, #tpu.memory_space<vmem>>) dst(%dma_wait3A_72 : memref<10000x128xf32, #tpu.memory_space<vmem_shared>>)
      tpu.yield
    }) : () -> ()
    %get3A = arith.constant 0 : index
    %get3A_45 = tpu.vector_load %arg16[%get3A] {strides = array<i32>} : memref<16xi32, #tpu.memory_space<vmem>>, vector<16xi32>,
    tpu.vector_store_idx %arg18[%get3A_45], %broadcast_in_dim3A_27 {add = true} : memref<10240xf32, #tpu.memory_space<vmem>>[vector<16xi32>], vector<16xf32>,
    %mul3A_46 = arith.constant 10240 : i32
    %mul3A_47 = arith.muli %add3A, %mul3A_46 : i32
    "tpu.region"() ({
      %run_scoped3A = tpu.sem_alloc : memref<!tpu.dma_semaphore, #tpu.memory_space<semaphore_mem>>
      %dma_start3A_67 = tpu.memref_slice %arg8[%mul3A_47] : memref<327680xf32, #tpu.memory_space<hbm>> -> memref<10240xf32, #tpu.memory_space<hbm>>
      %dma_start3A_68 = tpu.memref_slice %arg8[%mul3A_47] : memref<327680xf32, #tpu.memory_space<hbm>> -> memref<10240xf32, #tpu.memory_space<hbm>>
      tpu.enqueue_dma source(%arg18 : memref<10240xf32, #tpu.memory_space<vmem>>) target(%dma_start3A_68 : memref<10240xf32, #tpu.memory_space<hbm>>) target_semaphore(%run_scoped3A : memref<!tpu.dma_semaphore, #tpu.memory_space<semaphore_mem>>)
      %dma_wait3A_69 = tpu.memref_slice %arg8[%mul3A_47] : memref<327680xf32, #tpu.memory_space<hbm>> -> memref<10240xf32, #tpu.memory_space<hbm>>
      %dma_wait3A_70 = tpu.memref_slice %arg8[%mul3A_47] : memref<327680xf32, #tpu.memory_space<hbm>> -> memref<10240xf32, #tpu.memory_space<hbm>>
      tpu.wait_dma2 semaphore(%run_scoped3A : memref<!tpu.dma_semaphore, #tpu.memory_space<semaphore_mem>>) src(%arg18 : memref<10240xf32, #tpu.memory_space<vmem>>) dst(%dma_wait3A_70 : memref<10240xf32, #tpu.memory_space<hbm>>)
      tpu.yield
    }) : () -> ()
    %barrier3A_48 = arith.constant 0 : index
    tpu.barrier barrier_id(%barrier3A_48)
    %sub3A_49 = arith.constant 125 : i32
    %sub3A_50 = arith.subi %sub3A_49, %arg1 : i32
    %sub3A_51 = arith.constant 16 : i32
    %sub3A_52 = arith.constant 1 : i32
    %sub3A_53 = arith.subi %sub3A_51, %sub3A_52 : i32
    %add3A_54 = arith.addi %sub3A_50, %sub3A_53 : i32
    %div3A_55 = arith.constant 16 : i32
    %div3A_56 = arith.divsi %add3A_54, %div3A_55 : i32
    %while3A_57 = arith.constant 16 : i32
    %while3A_58 = arith.constant 0 : i32
    %while3A_59 = arith.subi %div3A_56, %while3A_58 : i32
    %while3A_60 = arith.addi %while3A_58, %while3A_59 : i32
    %while3A_61 = arith.constant 1 : i32
    %while3A_62 = arith.divsi %while3A_59, %while3A_61 : i32
    %while3A_63 = arith.muli %while3A_62, %while3A_61 : i32
    %while3A_64 = arith.addi %while3A_58, %while3A_63 : i32
    %while3A_65 = arith.constant 1 : i32
    scf.for %while3A_67 = %while3A_58 to %while3A_64 step %while3A_65  : i32 {
      %mul3A_68 = arith.muli %while3A_67, %while3A_57 : i32
      %add3A_69 = arith.addi %arg1, %mul3A_68 : i32
      %mul3A_70 = arith.constant 80 : i32
      %mul3A_71 = arith.muli %add3A_69, %mul3A_70 : i32
      %mul3A_72 = arith.constant 10000 : i32
      %mul3A_73 = arith.muli %arg0, %mul3A_72 : i32
      %add3A_74 = arith.addi %mul3A_73, %mul3A_71 : i32
      "tpu.region"() ({
        %run_scoped3A = tpu.sem_alloc : memref<!tpu.dma_semaphore, #tpu.memory_space<semaphore_mem>>
        %dma_start3A_75 = arith.constant 0 : i32
        %dma_start3A_76 = tpu.memref_slice %arg7[%add3A_74, %dma_start3A_75] : memref<20000x128xf32, #tpu.memory_space<hbm>> -> memref<80x128xf32, #tpu.memory_space<hbm>>
        %dma_start3A_77 = arith.constant 0 : i32
        %dma_start3A_78 = tpu.memref_slice %arg19[%mul3A_71, %dma_start3A_77] : memref<10000x128xf32, #tpu.memory_space<vmem_shared>> -> memref<80x128xf32, #tpu.memory_space<vmem_shared>>
        tpu.enqueue_dma source(%dma_start3A_78 : memref<80x128xf32, #tpu.memory_space<vmem_shared>>) target(%dma_start3A_76 : memref<80x128xf32, #tpu.memory_space<hbm>>) target_semaphore(%run_scoped3A : memref<!tpu.dma_semaphore, #tpu.memory_space<semaphore_mem>>)
        %dma_wait3A_79 = arith.constant 0 : i32
        %dma_wait3A_80 = tpu.memref_slice %arg7[%add3A_74, %dma_wait3A_79] : memref<20000x128xf32, #tpu.memory_space<hbm>> -> memref<80x128xf32, #tpu.memory_space<hbm>>
        %dma_wait3A_81 = arith.constant 0 : i32
        %dma_wait3A_82 = tpu.memref_slice %arg19[%mul3A_71, %dma_wait3A_81] : memref<10000x128xf32, #tpu.memory_space<vmem_shared>> -> memref<80x128xf32, #tpu.memory_space<vmem_shared>>
        tpu.wait_dma2 semaphore(%run_scoped3A : memref<!tpu.dma_semaphore, #tpu.memory_space<semaphore_mem>>) src(%dma_wait3A_82 : memref<80x128xf32, #tpu.memory_space<vmem_shared>>) dst(%dma_wait3A_80 : memref<80x128xf32, #tpu.memory_space<hbm>>)
        tpu.yield
      }) : () -> ()
    }
    %while3A_66 = arith.constant 1 : i32
    scf.for %while3A_67 = %while3A_64 to %while3A_60 step %while3A_66  : i32 {
      %mul3A_68 = arith.muli %while3A_67, %while3A_57 : i32
      %add3A_69 = arith.addi %arg1, %mul3A_68 : i32
      %mul3A_70 = arith.constant 80 : i32
      %mul3A_71 = arith.muli %add3A_69, %mul3A_70 : i32
      %mul3A_72 = arith.constant 10000 : i32
      %mul3A_73 = arith.muli %arg0, %mul3A_72 : i32
      %add3A_74 = arith.addi %mul3A_73, %mul3A_71 : i32
      "tpu.region"() ({
        %run_scoped3A = tpu.sem_alloc : memref<!tpu.dma_semaphore, #tpu.memory_space<semaphore_mem>>
        %dma_start3A_75 = arith.constant 0 : i32
        %dma_start3A_76 = tpu.memref_slice %arg7[%add3A_74, %dma_start3A_75] : memref<20000x128xf32, #tpu.memory_space<hbm>> -> memref<80x128xf32, #tpu.memory_space<hbm>>
        %dma_start3A_77 = arith.constant 0 : i32
        %dma_start3A_78 = tpu.memref_slice %arg19[%mul3A_71, %dma_start3A_77] : memref<10000x128xf32, #tpu.memory_space<vmem_shared>> -> memref<80x128xf32, #tpu.memory_space<vmem_shared>>
        tpu.enqueue_dma source(%dma_start3A_78 : memref<80x128xf32, #tpu.memory_space<vmem_shared>>) target(%dma_start3A_76 : memref<80x128xf32, #tpu.memory_space<hbm>>) target_semaphore(%run_scoped3A : memref<!tpu.dma_semaphore, #tpu.memory_space<semaphore_mem>>)
        %dma_wait3A_79 = arith.constant 0 : i32
        %dma_wait3A_80 = tpu.memref_slice %arg7[%add3A_74, %dma_wait3A_79] : memref<20000x128xf32, #tpu.memory_space<hbm>> -> memref<80x128xf32, #tpu.memory_space<hbm>>
        %dma_wait3A_81 = arith.constant 0 : i32
        %dma_wait3A_82 = tpu.memref_slice %arg19[%mul3A_71, %dma_wait3A_81] : memref<10000x128xf32, #tpu.memory_space<vmem_shared>> -> memref<80x128xf32, #tpu.memory_space<vmem_shared>>
        tpu.wait_dma2 semaphore(%run_scoped3A : memref<!tpu.dma_semaphore, #tpu.memory_space<semaphore_mem>>) src(%dma_wait3A_82 : memref<80x128xf32, #tpu.memory_space<vmem_shared>>) dst(%dma_wait3A_80 : memref<80x128xf32, #tpu.memory_space<hbm>>)
        tpu.yield
      }) : () -> ()
    }
    return
  }
}

module attributes {stable_mosaic.version = 14 : i64} {
  func.func @_dense_body(%arg0: i32, %arg1: memref<1000x128xf32, #tpu.memory_space<vmem>>, %arg2: memref<1000x128xf32, #tpu.memory_space<vmem>>, %arg3: memref<1000x128xf32, #tpu.memory_space<vmem>>, %arg4: memref<1x32x1000xf32, #tpu.memory_space<vmem>>, %arg5: memref<128x128xf32, #tpu.memory_space<vmem>>, %arg6: memref<1x128xf32, #tpu.memory_space<vmem>>, %arg7: memref<128x128xf32, #tpu.memory_space<vmem>>, %arg8: memref<1x128xf32, #tpu.memory_space<vmem>>, %arg9: memref<1x128xf32, #tpu.memory_space<vmem>>, %arg10: memref<1000x128xf32, #tpu.memory_space<vmem>>) attributes {dimension_semantics = [#tpu.dimension_semantics<arbitrary>], iteration_bounds = array<i64: 10>, scalar_prefetch = 0 : i64, scratch_operands = 0 : i64, tpu.core_type = #tpu.core_type<tc>, window_params = [{transform_indices = @transform_0, window_bounds = array<i64: 1000, 128>}, {transform_indices = @transform_1, window_bounds = array<i64: 1000, 128>}, {transform_indices = @transform_2, window_bounds = array<i64: 1000, 128>}, {transform_indices = @transform_3, window_bounds = array<i64: 1, 32, 1000>}, {pipeline_mode = #tpu.pipeline_mode<synchronous>, transform_indices = @transform_4, window_bounds = array<i64: 128, 128>}, {pipeline_mode = #tpu.pipeline_mode<synchronous>, transform_indices = @transform_5, window_bounds = array<i64: 1, 128>}, {pipeline_mode = #tpu.pipeline_mode<synchronous>, transform_indices = @transform_6, window_bounds = array<i64: 128, 128>}, {pipeline_mode = #tpu.pipeline_mode<synchronous>, transform_indices = @transform_7, window_bounds = array<i64: 1, 128>}, {pipeline_mode = #tpu.pipeline_mode<synchronous>, transform_indices = @transform_8, window_bounds = array<i64: 1, 128>}, {transform_indices = @transform_9, window_bounds = array<i64: 1000, 128>}]} {
    %get3A = arith.constant 0 : index
    %get3A_0 = arith.constant 0 : index
    %get3A_1 = arith.constant 0 : index
    %get3A_2 = vector.load %arg4[%get3A, %get3A_0, %get3A_1] : memref<1x32x1000xf32, #tpu.memory_space<vmem>>, vector<1x32x1000xf32>
    %get3A_3 = vector.shape_cast %get3A_2 : vector<1x32x1000xf32> to vector<32x1000xf32>
    %reduce_sum3A = arith.constant dense<0.000000e+00> : vector<1000xf32>
    %reduce_sum3A_4 = vector.multi_reduction <add>, %get3A_3, %reduce_sum3A [0] : vector<32x1000xf32> to vector<1000xf32>
    %broadcast_in_dim3A = vector.shape_cast %reduce_sum3A_4 : vector<1000xf32> to vector<1x1000xf32>
    %max3A = arith.constant 1.000000e+00 : f32
    %max3A_5 = vector.broadcast %max3A : f32 to vector<1x1000xf32>
    %max3A_6 = arith.maximumf %broadcast_in_dim3A, %max3A_5 : vector<1x1000xf32>
    %div3A = arith.constant 1.000000e+00 : f32
    %div3A_7 = vector.broadcast %div3A : f32 to vector<1x1000xf32>
    %div3A_8 = arith.divf %div3A_7, %max3A_6 : vector<1x1000xf32>
    %iota3A = tpu.iota {dimensions = array<i32: 0>} : vector<1000x1000xi32>
    %iota3A_9 = tpu.iota {dimensions = array<i32: 1>} : vector<1000x1000xi32>
    %eq3A = arith.cmpi eq, %iota3A, %iota3A_9 : vector<1000x1000xi32>
    %broadcast_in_dim3A_10 = vector.shape_cast %div3A_8 : vector<1x1000xf32> to vector<1x1000xf32>
    %broadcast_in_dim3A_11 = vector.broadcast %broadcast_in_dim3A_10 : vector<1x1000xf32> to vector<1000x1000xf32>
    %jit3A = arith.constant 0.000000e+00 : f32
    %broadcast_in_dim3A_12 = vector.broadcast %jit3A : f32 to vector<1000x1000xf32>
    %select_n3A = arith.select %eq3A, %broadcast_in_dim3A_11, %broadcast_in_dim3A_12 : vector<1000x1000xi1>, vector<1000x1000xf32>
    %get3A_13 = arith.constant 0 : index
    %get3A_14 = arith.constant 0 : index
    %get3A_15 = vector.load %arg2[%get3A_13, %get3A_14] : memref<1000x128xf32, #tpu.memory_space<vmem>>, vector<1000x128xf32>
    %get3A_16 = arith.constant 0 : index
    %get3A_17 = arith.constant 0 : index
    %get3A_18 = vector.load %arg3[%get3A_16, %get3A_17] : memref<1000x128xf32, #tpu.memory_space<vmem>>, vector<1000x128xf32>
    %add3A = arith.addf %get3A_15, %get3A_18 : vector<1000x128xf32>
    %dot_general3A = arith.constant dense<0.000000e+00> : vector<1000x128xf32>
    %dot_general3A_19 = tpu.matmul %select_n3A, %add3A, %dot_general3A {dimension_numbers = #tpu.dot_dimension_numbers<[1], [0], [0], [1], [0, 0, 1, 1], [], []>, transpose_lhs_hint = false} : vector<1000x1000xf32>, vector<1000x128xf32>, vector<1000x128xf32> -> vector<1000x128xf32>
    %get3A_20 = arith.constant 0 : index
    %get3A_21 = arith.constant 0 : index
    %get3A_22 = vector.load %arg1[%get3A_20, %get3A_21] : memref<1000x128xf32, #tpu.memory_space<vmem>>, vector<1000x128xf32>
    %get3A_23 = arith.constant 0 : index
    %get3A_24 = arith.constant 0 : index
    %get3A_25 = vector.load %arg5[%get3A_23, %get3A_24] : memref<128x128xf32, #tpu.memory_space<vmem>>, vector<128x128xf32>
    %dot_general3A_26 = arith.constant dense<0.000000e+00> : vector<1000x128xf32>
    %dot_general3A_27 = tpu.matmul %dot_general3A_19, %get3A_25, %dot_general3A_26 {dimension_numbers = #tpu.dot_dimension_numbers<[1], [0], [0], [1], [0, 0, 1, 1], [], []>, transpose_lhs_hint = false} : vector<1000x128xf32>, vector<128x128xf32>, vector<1000x128xf32> -> vector<1000x128xf32>
    %get3A_28 = arith.constant 0 : index
    %get3A_29 = arith.constant 0 : index
    %get3A_30 = vector.load %arg7[%get3A_28, %get3A_29] : memref<128x128xf32, #tpu.memory_space<vmem>>, vector<128x128xf32>
    %dot_general3A_31 = arith.constant dense<0.000000e+00> : vector<1000x128xf32>
    %dot_general3A_32 = tpu.matmul %get3A_22, %get3A_30, %dot_general3A_31 {dimension_numbers = #tpu.dot_dimension_numbers<[1], [0], [0], [1], [0, 0, 1, 1], [], []>, transpose_lhs_hint = false} : vector<1000x128xf32>, vector<128x128xf32>, vector<1000x128xf32> -> vector<1000x128xf32>
    %add3A_33 = arith.addf %dot_general3A_27, %dot_general3A_32 : vector<1000x128xf32>
    %get3A_34 = arith.constant 0 : index
    %get3A_35 = arith.constant 0 : index
    %get3A_36 = vector.load %arg6[%get3A_34, %get3A_35] : memref<1x128xf32, #tpu.memory_space<vmem>>, vector<1x128xf32>
    %add3A_37 = vector.broadcast %get3A_36 : vector<1x128xf32> to vector<1000x128xf32>
    %add3A_38 = arith.addf %add3A_33, %add3A_37 : vector<1000x128xf32>
    %reduce_sum3A_39 = arith.constant dense<0.000000e+00> : vector<1000xf32>
    %reduce_sum3A_40 = vector.multi_reduction <add>, %add3A_38, %reduce_sum3A_39 [1] : vector<1000x128xf32> to vector<1000xf32>
    %broadcast_in_dim3A_41 = vector.shape_cast %reduce_sum3A_40 : vector<1000xf32> to vector<1000x1xf32>
    %div3A_42 = arith.constant 1.280000e+02 : f32
    %div3A_43 = vector.broadcast %div3A_42 : f32 to vector<1000x1xf32>
    %div3A_44 = arith.divf %broadcast_in_dim3A_41, %div3A_43 : vector<1000x1xf32>
    %sub3A = vector.broadcast %div3A_44 : vector<1000x1xf32> to vector<1000x128xf32>
    %sub3A_45 = arith.subf %add3A_38, %sub3A : vector<1000x128xf32>
    %mul3A = arith.mulf %sub3A_45, %sub3A_45 : vector<1000x128xf32>
    %reduce_sum3A_46 = arith.constant dense<0.000000e+00> : vector<1000xf32>
    %reduce_sum3A_47 = vector.multi_reduction <add>, %mul3A, %reduce_sum3A_46 [1] : vector<1000x128xf32> to vector<1000xf32>
    %broadcast_in_dim3A_48 = vector.shape_cast %reduce_sum3A_47 : vector<1000xf32> to vector<1000x1xf32>
    %div3A_49 = arith.constant 1.280000e+02 : f32
    %div3A_50 = vector.broadcast %div3A_49 : f32 to vector<1000x1xf32>
    %div3A_51 = arith.divf %broadcast_in_dim3A_48, %div3A_50 : vector<1000x1xf32>
    %add3A_52 = arith.constant 9.99999974E-6 : f32
    %add3A_53 = vector.broadcast %add3A_52 : f32 to vector<1000x1xf32>
    %add3A_54 = arith.addf %div3A_51, %add3A_53 : vector<1000x1xf32>
    %rsqrt3A = math.rsqrt %add3A_54 : vector<1000x1xf32>
    %mul3A_55 = vector.broadcast %rsqrt3A : vector<1000x1xf32> to vector<1000x128xf32>
    %mul3A_56 = arith.mulf %sub3A_45, %mul3A_55 : vector<1000x128xf32>
    %get3A_57 = arith.constant 0 : index
    %get3A_58 = arith.constant 0 : index
    %get3A_59 = vector.load %arg8[%get3A_57, %get3A_58] : memref<1x128xf32, #tpu.memory_space<vmem>>, vector<1x128xf32>
    %mul3A_60 = vector.broadcast %get3A_59 : vector<1x128xf32> to vector<1000x128xf32>
    %mul3A_61 = arith.mulf %mul3A_56, %mul3A_60 : vector<1000x128xf32>
    %get3A_62 = arith.constant 0 : index
    %get3A_63 = arith.constant 0 : index
    %get3A_64 = vector.load %arg9[%get3A_62, %get3A_63] : memref<1x128xf32, #tpu.memory_space<vmem>>, vector<1x128xf32>
    %add3A_65 = vector.broadcast %get3A_64 : vector<1x128xf32> to vector<1000x128xf32>
    %add3A_66 = arith.addf %mul3A_61, %add3A_65 : vector<1000x128xf32>
    %max3A_67 = arith.constant 0.000000e+00 : f32
    %max3A_68 = vector.broadcast %max3A_67 : f32 to vector<1000x128xf32>
    %max3A_69 = arith.maximumf %add3A_66, %max3A_68 : vector<1000x128xf32>
    %add3A_70 = arith.addf %get3A_22, %max3A_69 : vector<1000x128xf32>
    %swap3A = arith.constant 0 : index
    %swap3A_71 = arith.constant 0 : index
    %swap3A_72 = vector.load %arg10[%swap3A, %swap3A_71] : memref<1000x128xf32, #tpu.memory_space<vmem>>, vector<1000x128xf32>
    tpu.vector_store %arg10[%swap3A, %swap3A_71], %add3A_70 {strides = array<i32>} : memref<1000x128xf32, #tpu.memory_space<vmem>>, vector<1000x128xf32>,
    return
  }
  func.func @transform_0(%arg0: i32) -> (i32, i32) {
    %c0_i32 = arith.constant 0 : i32
    %c0_i32_0 = arith.constant 0 : i32
    return %arg0, %c0_i32 : i32, i32
  }
  func.func @transform_1(%arg0: i32) -> (i32, i32) {
    %c0_i32 = arith.constant 0 : i32
    %c0_i32_0 = arith.constant 0 : i32
    return %arg0, %c0_i32 : i32, i32
  }
  func.func @transform_2(%arg0: i32) -> (i32, i32) {
    %add3A = arith.constant 10 : i32
    %add3A_0 = arith.addi %arg0, %add3A : i32
    %c0_i32 = arith.constant 0 : i32
    %c0_i32_1 = arith.constant 0 : i32
    return %add3A_0, %c0_i32 : i32, i32
  }
  func.func @transform_3(%arg0: i32) -> (i32, i32, i32) {
    %c0_i32 = arith.constant 0 : i32
    %c0_i32_0 = arith.constant 0 : i32
    %c0_i32_1 = arith.constant 0 : i32
    return %arg0, %c0_i32, %c0_i32_0 : i32, i32, i32
  }
  func.func @transform_4(%arg0: i32) -> (i32, i32) {
    %c0_i32 = arith.constant 0 : i32
    %c0_i32_0 = arith.constant 0 : i32
    %c0_i32_1 = arith.constant 0 : i32
    return %c0_i32, %c0_i32_0 : i32, i32
  }
  func.func @transform_5(%arg0: i32) -> (i32, i32) {
    %c0_i32 = arith.constant 0 : i32
    %c0_i32_0 = arith.constant 0 : i32
    %c0_i32_1 = arith.constant 0 : i32
    return %c0_i32, %c0_i32_0 : i32, i32
  }
  func.func @transform_6(%arg0: i32) -> (i32, i32) {
    %c0_i32 = arith.constant 0 : i32
    %c0_i32_0 = arith.constant 0 : i32
    %c0_i32_1 = arith.constant 0 : i32
    return %c0_i32, %c0_i32_0 : i32, i32
  }
  func.func @transform_7(%arg0: i32) -> (i32, i32) {
    %c0_i32 = arith.constant 0 : i32
    %c0_i32_0 = arith.constant 0 : i32
    %c0_i32_1 = arith.constant 0 : i32
    return %c0_i32, %c0_i32_0 : i32, i32
  }
  func.func @transform_8(%arg0: i32) -> (i32, i32) {
    %c0_i32 = arith.constant 0 : i32
    %c0_i32_0 = arith.constant 0 : i32
    %c0_i32_1 = arith.constant 0 : i32
    return %c0_i32, %c0_i32_0 : i32, i32
  }
  func.func @transform_9(%arg0: i32) -> (i32, i32) {
    %c0_i32 = arith.constant 0 : i32
    %c0_i32_0 = arith.constant 0 : i32
    return %arg0, %c0_i32 : i32, i32
  }
}

</mosaic_0001>

<sc_bundles>
// kernel: kernel.4.cloned.1.call-start
scs
__scs_entry_jumppad:
0x0: {  	(pc) =	sbr.rel $0x88, $3  }
0x1: {  	(tag) =	ssettag $0x0;
	lr =	simm.s32 $0x1  }
0x2: {  	[smem:$0x3F9A] =	sst lr;
	_ =	strace $0xD0000000  }
0x3: {  	_ = 	snop  }
0x4: {  	_ = 	snop  }
0x5: {  	_ = 	snop  }
0x6: {  	_ = 	snop  }
0x7: {  	_ = 	snop  }
__scs_overlays_trampoline_lowered:
0x8: {  	[smem:$0x3FA9] =	sst s0  }
0x9: {  	[smem:$0x3FAA] =	sst s1  }
0xa: {  	[smem:$0x3FAB] =	sst s2  }
0xb: {  	[smem:$0x3FAC] =	sst s3  }
0xc: {  	[smem:$0x3FAD] =	sst s4  }
0xd: {  	[smem:$0x3FAE] =	sst s5  }
0xe: {  	[smem:$0x3FAF] =	sst s6  }
0xf: {  	[smem:$0x3FB0] =	sst s7  }
0x10: {  	[smem:$0x3FB1] =	sst s8  }
0x11: {  	[smem:$0x3FB2] =	sst s9;
	s0 =	simm.s32 @!p0 $0x0  }
0x12: {  	s1 =	sld [smem:$0x3F98];
	s0 =	simm.s32 @p0 $0x1  }
0x13: {  	[smem:$0x3FB3] =	sst s0;
	s0 =	simm.s32 @!p1 $0x0  }
0x14: {  	s2 =	sld [smem:$0x3F97];
	s0 =	simm.s32 @p1 $0x1  }
0x15: {  	[smem:$0x3FB4] =	sst s0;
	s0 =	simm.s32 @!p2 $0x0  }
0x16: {  	s3 =	sld [smem:$0x3FDB];
	s0 =	simm.s32 @p2 $0x1  }
0x17: {  	s4 =	simm.s32 $0x1BF5;
	[smem:$0x3FB6] =	sst s0  }
0x18: {  	s0 =	sld [smem:$0x3F99];
	_ =	swait.ge [sflag:s4], $0x0  }
0x19: {  	s7 =	sld [smem:$0x3F9A]  }
0x1a: {  	s8 =	sadd.s32 $0xFFFFE003, lr  }
0x1b: {  	s9 =	sadd.s32 $0xFFFFFEF7, lr;
	s5 =	simm.s32 $0xFFFFFFFF;
	p2 =	slt.u32 s8, $0xFFFFF086  }
0x1c: {  	p1 =	slt.u32 s9, $0xF7A;
	s5 =	simm.s32 @!p2 $0x0  }
0x1d: {  	s5 =	simm.s32 @p1 $0x1;
	p0 =	seq.s32 s7, s2  }
0x1e: {  	s7 =	smul.u32 @!p0 $0xF7A, s2;
	p2 =	seq.s32 @!p0 s5, $0x0  }
0x1f: {  	s9 =	smul.u32 $0xF7A, s1;
	s8 =	simm.s32 @!p0 $0x1BF5;
	p2 =	por !p2, p0  }
0x20: {  	[sflag:s8] =	ssyncset.s32 @!p0 $0xFFFFF086;
	s6 =	sadd.s32 @!p0 s3, s7;
	s7 =	simm.s32 @!p0 $0x108  }
0x21: {  	s3 =	sadd.s32 s3, s9;
	s6 =	sadd.s32 @!p0 $0x88, s6;
	s7 =	simm.s32 @p2 $0x1082  }
0x22: {  	[simem:s7], [sflag:s8] =	dma.local @!p0 [hbm:s6], $0xF7A  }
0x23: {  	s9 =	sor.u32 $0xD0000000, s2;
	s6 =	simm.s32 $0x108;
	_ =	swait.ge @!p0 [sflag:s8], $0x0  }
0x24: {  	s3 =	sadd.s32 $0x88, s3;
	s6 =	simm.s32 @!p1 $0x1082;
	[sflag:s4] =	ssyncset.s32 $0xFFFFF086  }
0x25: {  	[simem:s6], [sflag:s4] =	dma.local [hbm:s3], $0xF7A  }
0x26: {  	[smem:$0x3F9A] =	sst s1;
	(tag) =	ssettag s2;
	_ =	strace s9  }
0x27: {  	s1 =	sld [smem:$0x3FAA]  }
0x28: {  	s2 =	sld [smem:$0x3FAB]  }
0x29: {  	s4 =	sld [smem:$0x3FAD]  }
0x2a: {  	p0 =	seq.s32 s5, $0x0;
	s5 =	sld [smem:$0x3FAE]  }
0x2b: {  	s6 =	sld [smem:$0x3FAF]  }
0x2c: {  	s7 =	sld [smem:$0x3FB0]  }
0x2d: {  	s3 =	simm.s32 $0x108;
	s8 =	sld [smem:$0x3FB1]  }
0x2e: {  	s3 =	simm.s32 @!p0 $0x1082;
	s9 =	sld [smem:$0x3FB2]  }
0x2f: {  	lr =	sadd.s32 s0, s3;
	s0 =	sld [smem:$0x3FA9]  }
0x30: {  	s3 =	sld [smem:$0x3FAC]  }
0x31: {  	[smem:$0x3FB5] =	sst s10  }
0x32: {  	s10 =	sld [smem:$0x3FB3];
	_ =	sdelay $0x3  }
0x33: {  	p0 =	seq.s32 s10, $0x1;
	s10 =	sld [smem:$0x3FB5];
	_ =	sdelay $0x3  }
0x34: {  	[smem:$0x3FB5] =	sst s10  }
0x35: {  	s10 =	sld [smem:$0x3FB4];
	_ =	sdelay $0x3  }
0x36: {  	p1 =	seq.s32 s10, $0x1;
	s10 =	sld [smem:$0x3FB5];
	_ =	sdelay $0x3  }
0x37: {  	[smem:$0x3FB5] =	sst s10  }
0x38: {  	s10 =	sld [smem:$0x3FB6]  }
0x39: {  	_ = 	snop;
	(pc) =	sbr.ind lr, $3  }
0x3a: {  	_ = 	snop  }
0x3b: {  	_ = 	snop  }
0x3c: {  	p2 =	seq.s32 s10, $0x1;
	s10 =	sld [smem:$0x3FB5]  }
0x3d: {  	_ =	shalt  }
0x3e: {  	_ =	shalt  }
0x3f: {  	_ =	shalt  }
0x40: {  	_ =	shalt  }
0x41: {  	_ =	shalt  }
0x42: {  	_ =	shalt  }
0x43: {  	_ =	shalt  }
0x44: {  	_ =	shalt  }
0x45: {  	_ =	shalt  }
0x46: {  	_ =	shalt  }
0x47: {  	_ =	shalt  }
0x48: {  	_ =	shalt  }
0x49: {  	_ =	shalt  }
0x4a: {  	_ =	shalt  }
0x4b: {  	_ =	shalt  }
0x4c: {  	_ =	shalt  }
0x4d: {  	_ =	shalt  }
0x4e: {  	_ =	shalt  }
0x4f: {  	_ =	shalt  }
0x50: {  	_ =	shalt  }
0x51: {  	_ =	shalt  }
0x52: {  	_ =	shalt  }
0x53: {  	_ =	shalt  }
0x54: {  	_ =	shalt  }
0x55: {  	_ =	shalt  }
0x56: {  	_ =	shalt  }
0x57: {  	_ =	shalt  }
0x58: {  	_ =	shalt  }
0x59: {  	_ =	shalt  }
0x5a: {  	_ =	shalt  }
0x5b: {  	_ =	shalt  }
0x5c: {  	_ =	shalt  }
0x5d: {  	_ =	shalt  }
0x5e: {  	_ =	shalt  }
0x5f: {  	_ =	shalt  }
0x60: {  	_ =	shalt  }
0x61: {  	_ =	shalt  }
0x62: {  	_ =	shalt  }
0x63: {  	_ =	shalt  }
0x64: {  	_ =	shalt  }
0x65: {  	_ =	shalt  }
0x66: {  	_ =	shalt  }
0x67: {  	_ =	shalt  }
0x68: {  	_ =	shalt  }
0x69: {  	_ =	shalt  }
0x6a: {  	_ =	shalt  }
0x6b: {  	_ =	shalt  }
0x6c: {  	_ =	shalt  }
0x6d: {  	_ =	shalt  }
0x6e: {  	_ =	shalt  }
0x6f: {  	_ =	shalt  }
0x70: {  	_ =	shalt  }
0x71: {  	_ =	shalt  }
0x72: {  	_ =	shalt  }
0x73: {  	_ =	shalt  }
0x74: {  	_ =	shalt  }
0x75: {  	_ =	shalt  }
0x76: {  	_ =	shalt  }
0x77: {  	_ =	shalt  }
0x78: {  	_ =	shalt  }
0x79: {  	_ =	shalt  }
0x7a: {  	_ =	shalt  }
0x7b: {  	_ =	shalt  }
0x7c: {  	_ =	shalt  }
0x7d: {  	_ =	shalt  }
0x7e: {  	_ =	shalt  }
0x7f: {  	_ =	shalt  }
0x80: {  	_ =	shalt  }
0x81: {  	_ =	shalt  }
0x82: {  	_ =	shalt  }
0x83: {  	_ =	shalt  }
0x84: {  	_ =	shalt  }
0x85: {  	_ =	shalt  }
0x86: {  	_ =	shalt  }
0x87: {  	_ =	shalt  }
.Lfunc_end0:
.L_simem_size_0:
called_computation_lowered:
.L_overlay_start_0:
0x88: {  	s2 =	sld [smem:$0x3FD9]  }
0x89: {  	s3 =	sld [smem:$0x3FFE];
	_ =	sdelay $0x1  }
0x8a: {  	s1 =	srdreg.scid  }
0x8b: {  	s0 =	sand.u32 $0x1, s1  }
0x8c: {  	s17 =	sshll.u32 s0, $0xA;
	s2 =	sadd.s32 s3, s2  }
0x8d: {  	s2 =	sadd.s32 s2, s17  }
0x8e: {  	[smem:$0x3FC1] =	sst s2  }
0x8f: {  	_ = 	snop  }
0x90: {  	s2 =	sld [smem:$0x3FC9]  }
0x91: {  	s18 =	sld [smem:$0x3FD0];
	(tm) =	ssettm $0x1  }
0x92: {  	s4 =	sld [smem:$0x3FFB];
	_ =	sdelay $0x3  }
0x93: {  	_ =	strace s4  }
0x94: {  	s4 =	sld [smem:$0x3FFC];
	_ =	sdelay $0x3  }
0x95: {  	_ =	strace s4  }
0x96: {  	s4 =	sld [smem:$0x3FFD];
	_ =	sdelay $0x3  }
0x97: {  	_ =	strace s4  }
0x98: {  	_ =	strace $0x8FFFFFFF  }
0x99: {  	s19 =	sld [smem:$0x3FDB];
	_ =	sdelay $0x1  }
0x9a: {  	s5 =	simm.s32 $_scs_section_size  }
0x9b: {  	s6 =	simm.s32 $_size__tile_overlayer_lowered;
	s7 =	simm.s32 $_tile_overlayer_lowered  }
0x9c: {  	s22 =	simm.s32 $0x1BFF;
	s21 =	sshll.u32 s7, $0x1;
	s4 =	sadd.s32 s5, s19  }
0x9d: {  	s8 =	simm.s32 $0x0;
	s20 =	sshll.u32 s6, $0x1;
	s6 =	sadd.s32 s21, s4  }
0x9e: {  	[timem:s8], [sflag:s22] =	dma.local [hbm:s6], s20  }
0x9f: {  	_ =	swait.ge [sflag:s22], s20  }
0xa0: {  	s5 =	ssub.s32 $0x0, s20;
	[sflag:s22] =	ssyncset.done $0x0  }
0xa1: {  	[sflag:s22] =	ssyncadd.s32 s5;
	_ =	sdelay $0x1  }
0xa2: {  	s23 =	simm.s32 $0x1B8B  }
0xa3: {  	_ =	swait.ge [sflag:s23], $0x1  }
0xa4: {  	[sflag:s23] =	ssyncset.done $0x0  }
0xa5: {  	s25 =	simm.s32 $0x1B8E;
	s24 =	sld [smem:$0x3FFE];
	[sflag:s23] =	ssyncadd.s32 $0xFFFFFFFF  }
0xa6: {  	s26 =	simm.s32 $execute0_lowered;
	[smem:$0x3FD2] =	sst s25  }
0xa7: {  	s6 =	sshll.u32 s26, $0x1;
	_ =	strace $0x80000046;
	[dreg:$0x1] =	wrdreg $0xFFFFFFFF  }
0xa8: {  	s28 =	simm.s32 $_size_execute0_lowered;
	s4 =	sadd.s32 s4, s6;
	[dreg:$0x0] =	wrdreg $0x0  }
0xa9: {  	s6 =	sshll.u32 s28, $0x1;
	[dreg:$0x2] =	wrdreg s4  }
0xaa: {  	[dreg:$0x3] =	wrdreg s6  }
0xab: {  	[dreg:$0x4] =	wrdreg $0xC0  }
0xac: {  	_ =	task [dreg:s8], $0x5FFFF  }
0xad: {  	[dreg:$0x1] =	wrdreg $0xFFFFFFFF  }
0xae: {  	[dreg:$0x0] =	wrdreg $0x60  }
0xaf: {  	[dreg:$0x2] =	wrdreg s24  }
0xb0: {  	[dreg:$0x3] =	wrdreg s2  }
0xb1: {  	[dreg:$0x4] =	wrdreg s18  }
0xb2: {  	[dreg:$0x5] =	wrdreg $0xB3000  }
0xb3: {  	[dreg:$0x6] =	wrdreg $0x9  }
0xb4: {  	_ =	task.clear_ibuf [dreg:s8], $0x7FFFF;
	_ =	strace $0x90000046  }
0xb5: {  	s29 =	simm.s32 $0x9;
	_ =	strace $0x80000048  }
0xb6: {  	_ =	swait.ge [sflag:s29], $0x1  }
0xb7: {  	[sflag:s29] =	ssyncadd.s32 $0xFFFFFFFF  }
0xb8: {  	_ =	strace $0x90000048  }
0xb9: {  	_ =	sfence  }
0xba: {  	s30 =	sld [smem:$0x0];
	_ =	sdelay $0x2  }
0xbb: {  	s31 =	sshll.u32 s1, $0xD;
	s1 =	sshrl.u32 s1, $0x2  }
0xbc: {  	s3 =	sand.u32 $0x4000, s31;
	s1 =	sadd.s32 s1, s30  }
0xbd: {  	s0 =	sor.u32 s3, s0;
	s1 =	sshll.u32 s1, $0x11  }
0xbe: {  	s0 =	sor.u32 s1, s0  }
0xbf: {  	s0 =	sadd.s32 $0x8F2B, s0  }
0xc0: {  	[sflag:s0] =	ssyncadd.remote.s32 $0x1  }
0xc1: {  	_ =	sfence.sel $0xFFFF  }
0xc2: {  	[dreg:$0x0] =	wrdreg $0xFFFFFFFF;
	(pc) =	sbr.abs _section_cstart, $3  }
0xc3: {  	[dreg:$0x1] =	wrdreg $0xFFFFFFFF  }
0xc4: {  	_ =	task.clear_ibuf [dreg:s8], $0x2FFFF;
	_ =	strace $0x9FFFFFFF  }
0xc5: {  	(tm) =	ssettm $0x7FFFFFFF  }
tec
execute0_lowered:
.L_overlay_start_1:
0x0: {  	(tag) =	ssettag $0x1  }
0x1: {  	s0 =	rddreg [dreg:$0x0]  }
0x2: {  	s1 =	rddreg [dreg:$0x1]  }
0x3: {  	s4 =	rddreg [dreg:$0x2]  }
0x4: {  	s2 =	rddreg [dreg:$0x3];
	s3 =	simm.s32 $0x0  }
0x5: {  	s7 =	srdreg.scid;
	s15 =	stileid.u32;
	s28 =	simm.s32 $0x100  }
0x6: {  	s29 =	simm.s32 $0x180;
	s30 =	simm.s32 $0x4200;
	s31 =	simm.s32 $0x1  }
0x7: {  	[smem:$0x7FF] =	sst s3;
	s5 =	sadd.s32 $0xB200, s0;
	s22 =	smul.u32 $0xA000, s15  }
0x8: {  	s6 =	sadd.s32 $0x1400, s0;
	s8 =	sand.u32 $0x1, s7;
	s25 =	smul.u32 $0x500, s15  }
0x9: {  	s9 =	sshll.u32 s15, $0x1;
	s14 =	sadd.s32 $0x15600, s0;
	s10 =	smul.u32 $0x27100, s8  }
0xa: {  	_ =	strace $0x80000047;
	[dreg:$0x5] =	wrdreg s14;
	s14 =	smul.u32 $0x4E20, s15  }
0xb: {  	s11 =	sor.u32 s8, s9;
	s16 =	ssub.s32 $0x2, s8;
	s8 =	smul.u32 $0x2710, s8  }
0xc: {  	s7 =	sadd.s32 $0x15000, s0;
	s13 =	ssub.s32 $0x8C, s15;
	s12 =	smul.u32 $0x2710, s11  }
0xd: {  	s9 =	sshrl.u32 s13, $0x4;
	s17 =	sshrl.u32 s16, $0x1;
	s11 =	smul.u32 $0x500, s11  }
0xe: {  	s24 =	sshrl.u32 s22, $0x2;
	s0 =	sadd.s32 s10, s0;
	s10 =	ssub.s32 s16, s17  }
0xf: {  	s8 =	sadd.s32 s8, s14;
	s12 =	sshrl.u32 s12, $0x3;
	s4 =	sadd.s32 s4, s11  }
0x10: {  	s23 =	sadd.s32 $0x180, s8;
	s10 =	smax.u32 s10, $0x1;
	s26 =	sadd.s32 $0x100, s8  }
0x11: {  	s0 =	sadd.s32 s25, s0;
	s25 =	simm.s32 $0x80;
	s8 =	simm.s32 $0x8280  }
0x12: {  	s11 =	simm.s32 $0x8300;
	s18 =	sadd.s32 s5, s12;
	[dreg:$0xc] =	wrdreg s4  }
0x13: {  	s19 =	sadd.s32 $0x10, s12;
	s16 =	sadd.s32 s6, s12;
	[dreg:$0xd] =	wrdreg s10  }
0x14: {  	s12 =	sadd.s32 $0x4E0, s12;
	s4 =	sshrl.u32 s23, $0x3;
	[dreg:$0xe] =	wrdreg s26  }
0x15: {  	s22 =	sadd.s32 $0x15C00, s0;
	s23 =	simm.s32 $0x8B00;
	[dreg:$0x6] =	wrdreg s18  }
0x16: {  	s26 =	simm.s32 $0x200;
	[dreg:$0x7] =	wrdreg s16;
	s20 =	sadd.s32 s5, s19  }
0x17: {  	s0 =	simm.s32 $0x2;
	s13 =	sadd.s32 s6, s19;
	[dreg:$0x8] =	wrdreg s20  }
0x18: {  	s10 =	simm.s32 $0x10;
	s21 =	sadd.s32 s5, s12;
	[dreg:$0x9] =	wrdreg s13  }
0x19: {  	s12 =	sadd.s32 s6, s12;
	s18 =	sadd.s32 s24, s2;
	[dreg:$0xa] =	wrdreg s21  }
0x1a: {  	s19 =	sadd.s32 s4, s6;
	s24 =	simm.s32 $0x3;
	[dreg:$0xb] =	wrdreg s12  }
0x1b: {  	v0 =	vimm.f32 $1.000000000e+00;
	s20 =	sadd.s32 s4, s5;
	s4 =	simm.s32 $0x8200;
	s12 =	simm.s32 $0x0  }
.LBB2_1:
0x1c: {  	s13 =	rddreg [dreg:$0x5]  }
0x1d: {  	[tilespmem:s23], [sflag:$0x3] =	stream.linear.gather [hbm4b:s13+s3], $0x2800, $0x38;
	[tilespmem:$0x1EB80] =	vst v63  }
0x1e: {  	s21 =	stileid.u32;
	p0 =	sne.s32 s9, $0x1;
	_ =	swait.ge [sflag:s24], $0x2800  }
.Ltmp0:
0x1f: {  	s13 =	sshll.u32 s21, $0x6;
	[sflag:s24] =	ssyncset.done $0x0;
	(pc) =	sbr.rel @!p0 .LBB2_3-.Ltmp0, $4  }
0x20: {  	s14 =	sshrl.u32 s18, $0x3;
	s13 =	sor.u32 $0x1C03, s13;
	[sflag:s24] =	ssyncadd.s32 $0xFFFFD800  }
0x21: {  	[spmem:s14], [sflag:s13] =	dma.local [hbm:s7], $0x500  }
0x22: {  	_ =	swait.ge [sflag:s24], $0x500  }
0x23: {  	s15 =	sadd.s32 $0xFFFFFFFF, s9;
	s21 =	sadd.s32 $0x28000, s18;
	[sflag:s24] =	ssyncset.done $0x0  }
.LBB2_2:
0x24: {  	s17 =	sshrl.u32 s21, $0x3;
	[sflag:s24] =	ssyncadd.s32 $0xFFFFFB00;
	p1 =	sne.s32 s15, $0x1  }
0x25: {  	[spmem:s17], [sflag:s13] =	dma.local [hbm:s7], $0x500  }
.Ltmp1:
0x26: {  	_ = 	snop;
	(pc) =	sbr.rel @p1 .LBB2_2-.Ltmp1, $4  }
0x27: {  	_ = 	snop  }
0x28: {  	s15 =	sadd.s32 $0xFFFFFFFF, s15  }
0x29: {  	_ =	swait.ge [sflag:s24], $0x500  }
0x2a: {  	s21 =	sadd.s32 $0x28000, s21;
	[sflag:s24] =	ssyncset.done $0x0  }
.LBB2_3:
0x2b: {  	[sflag:s24] =	ssyncadd.s32 $0xFFFFFB00  }
0x2c: {  	[bflag:$0x0] =	sbarrier.arrive $0xFFFF  }
0x2d: {  	s15 =	simm.s32 $0x0;
	s16 =	rddreg [dreg:$0x6]  }
0x2e: {  	[tilespmem:s15], [sflag:$0x3] =	stream.linear.gather [hbm4b:s16+s15], $0x80, $0x38;
	[tilespmem:$0x1EB80] =	vst v63  }
0x2f: {  	_ =	swait.ge [sflag:s24], $0x80  }
0x30: {  	[sflag:s24] =	ssyncset.done $0x0  }
0x31: {  	s21 =	rddreg [dreg:$0x7];
	[sflag:s24] =	ssyncadd.s32 $0xFFFFFF80  }
0x32: {  	[tilespmem:s25], [sflag:$0x3] =	stream.linear.gather [hbm4b:s21+s15], $0x80, $0x38;
	[tilespmem:$0x1EB80] =	vst v63  }
0x33: {  	_ =	swait.ge [sflag:s24], $0x80  }
0x34: {  	[sflag:s24] =	ssyncset.done $0x0  }
0x35: {  	[sflag:s24] =	ssyncadd.s32 $0xFFFFFF80  }
0x36: {  	[tilespmem:s26], [sflag:$0x1] =	stream.indirect.gather [hbm4b:s1+s25], $0x80, s15, s25, $0xb8;
	[tilespmem:$0x1EB80] =	vst v63  }
0x37: {  	s17 =	rddreg [dreg:$0x8]  }
0x38: {  	[tilespmem:s28], [sflag:$0x3] =	stream.linear.gather [hbm4b:s17+s15], $0x80, $0x38;
	[tilespmem:$0x1EB80] =	vst v63  }
0x39: {  	_ =	swait.ge [sflag:s24], $0x80  }
0x3a: {  	[sflag:s24] =	ssyncset.done $0x0  }
0x3b: {  	s21 =	rddreg [dreg:$0x9];
	[sflag:s24] =	ssyncadd.s32 $0xFFFFFF80  }
0x3c: {  	[tilespmem:s29], [sflag:$0x3] =	stream.linear.gather [hbm4b:s21+s15], $0x80, $0x38;
	[tilespmem:$0x1EB80] =	vst v63  }
0x3d: {  	_ =	swait.ge [sflag:s24], $0x80  }
0x3e: {  	[sflag:s24] =	ssyncset.done $0x0  }
0x3f: {  	s21 =	rddreg [dreg:$0xe];
	[sflag:s24] =	ssyncadd.s32 $0xFFFFFF80  }
0x40: {  	[tilespmem:s30], [sflag:$0x2] =	stream.indirect.gather [hbm4b:s1+s25], $0x80, s28, s25, $0xb8;
	[tilespmem:$0x1EB80] =	vst v63  }
.LBB2_4:
0x41: {  	_ =	swait.ge [sflag:s31], $0x4000  }
0x42: {  	[sflag:s31] =	ssyncset.done $0x0  }
0x43: {  	[sflag:s31] =	ssyncadd.s32 $0xFFFFC000  }
0x44: {  	[spmem:s2] =	stream.indirect.scatter.add.f32 [tilespmem:s26], [sflag:$0x3], $0x80, s25, s25, $0xb8;
	[tilespmem:$0x1EB80] =	vst v63  }
0x45: {  	_ =	swait.ge [sflag:s24], $0x4000  }
0x46: {  	[sflag:s24] =	ssyncset.done $0x0  }
0x47: {  	[sflag:s24] =	ssyncadd.s32 $0xFFFFC000  }
0x48: {  	v1 =	vld [tilespmem:$0x80];
	_ =	sdelay $0x7  }
0x49: {  	[tilespmem:v1+s23+$0x0] =	vst.idx.add.f32.msk $0xffff, v0  }
0x4a: {  	v1 =	vld [tilespmem:$0x90];
	_ =	sdelay $0x7  }
0x4b: {  	[tilespmem:v1+s23+$0x0] =	vst.idx.add.f32.msk $0xffff, v0  }
0x4c: {  	v1 =	vld [tilespmem:$0xA0];
	_ =	sdelay $0x7  }
0x4d: {  	[tilespmem:v1+s23+$0x0] =	vst.idx.add.f32.msk $0xffff, v0  }
0x4e: {  	v1 =	vld [tilespmem:$0xB0];
	_ =	sdelay $0x7  }
0x4f: {  	[tilespmem:v1+s23+$0x0] =	vst.idx.add.f32.msk $0xffff, v0  }
0x50: {  	v1 =	vld [tilespmem:$0xC0];
	_ =	sdelay $0x7  }
0x51: {  	[tilespmem:v1+s23+$0x0] =	vst.idx.add.f32.msk $0xffff, v0  }
0x52: {  	v1 =	vld [tilespmem:$0xD0];
	_ =	sdelay $0x7  }
0x53: {  	[tilespmem:v1+s23+$0x0] =	vst.idx.add.f32.msk $0xffff, v0  }
0x54: {  	v1 =	vld [tilespmem:$0xE0];
	_ =	sdelay $0x7  }
0x55: {  	[tilespmem:v1+s23+$0x0] =	vst.idx.add.f32.msk $0xffff, v0  }
0x56: {  	v1 =	vld [tilespmem:$0xF0];
	_ =	sdelay $0x6  }
0x57: {  	s17 =	sshrl.u32 s21, $0x3  }
0x58: {  	s16 =	sadd.s32 s5, s17;
	[tilespmem:v1+s23+$0x0] =	vst.idx.add.f32.msk $0xffff, v0  }
0x59: {  	[tilespmem:s3], [sflag:$0x3] =	stream.linear.gather [hbm4b:s16+s3], $0x80, $0x38;
	[tilespmem:$0x1EB80] =	vst v63  }
0x5a: {  	_ =	swait.ge [sflag:s24], $0x80  }
0x5b: {  	[sflag:s24] =	ssyncset.done $0x0  }
0x5c: {  	s17 =	sadd.s32 s6, s17;
	[sflag:s24] =	ssyncadd.s32 $0xFFFFFF80  }
0x5d: {  	[tilespmem:s25], [sflag:$0x3] =	stream.linear.gather [hbm4b:s17+s3], $0x80, $0x38;
	[tilespmem:$0x1EB80] =	vst v63  }
0x5e: {  	_ =	swait.ge [sflag:s24], $0x80  }
0x5f: {  	[sflag:s24] =	ssyncset.done $0x0  }
0x60: {  	[sflag:s24] =	ssyncadd.s32 $0xFFFFFF80  }
0x61: {  	[tilespmem:s26], [sflag:$0x1] =	stream.indirect.gather [hbm4b:s1+s25], $0x80, s3, s25, $0xb8;
	[tilespmem:$0x1EB80] =	vst v63  }
0x62: {  	_ =	swait.ge [sflag:s0], $0x4000  }
0x63: {  	[sflag:s0] =	ssyncset.done $0x0  }
0x64: {  	[sflag:s0] =	ssyncadd.s32 $0xFFFFC000  }
0x65: {  	[spmem:s2] =	stream.indirect.scatter.add.f32 [tilespmem:s30], [sflag:$0x3], $0x80, s29, s25, $0xb8;
	[tilespmem:$0x1EB80] =	vst v63  }
0x66: {  	_ =	swait.ge [sflag:s24], $0x4000  }
0x67: {  	[sflag:s24] =	ssyncset.done $0x0  }
0x68: {  	[sflag:s24] =	ssyncadd.s32 $0xFFFFC000  }
0x69: {  	v1 =	vld [tilespmem:$0x180];
	_ =	sdelay $0x7  }
0x6a: {  	[tilespmem:v1+s23+$0x0] =	vst.idx.add.f32.msk $0xffff, v0  }
0x6b: {  	v1 =	vld [tilespmem:$0x190];
	_ =	sdelay $0x7  }
0x6c: {  	[tilespmem:v1+s23+$0x0] =	vst.idx.add.f32.msk $0xffff, v0  }
0x6d: {  	v1 =	vld [tilespmem:$0x1A0];
	_ =	sdelay $0x7  }
0x6e: {  	[tilespmem:v1+s23+$0x0] =	vst.idx.add.f32.msk $0xffff, v0  }
0x6f: {  	v1 =	vld [tilespmem:$0x1B0];
	_ =	sdelay $0x7  }
0x70: {  	[tilespmem:v1+s23+$0x0] =	vst.idx.add.f32.msk $0xffff, v0  }
0x71: {  	v1 =	vld [tilespmem:$0x1C0];
	_ =	sdelay $0x7  }
0x72: {  	[tilespmem:v1+s23+$0x0] =	vst.idx.add.f32.msk $0xffff, v0  }
0x73: {  	v1 =	vld [tilespmem:$0x1D0];
	_ =	sdelay $0x7  }
0x74: {  	[tilespmem:v1+s23+$0x0] =	vst.idx.add.f32.msk $0xffff, v0  }
0x75: {  	v1 =	vld [tilespmem:$0x1E0];
	_ =	sdelay $0x7  }
0x76: {  	[tilespmem:v1+s23+$0x0] =	vst.idx.add.f32.msk $0xffff, v0  }
0x77: {  	v1 =	vld [tilespmem:$0x1F0];
	_ =	sdelay $0x7  }
0x78: {  	s17 =	sadd.s32 s15, s20;
	[tilespmem:v1+s23+$0x0] =	vst.idx.add.f32.msk $0xffff, v0  }
0x79: {  	[tilespmem:s28], [sflag:$0x3] =	stream.linear.gather [hbm4b:s17+s3], $0x80, $0x38;
	[tilespmem:$0x1EB80] =	vst v63  }
0x7a: {  	_ =	swait.ge [sflag:s24], $0x80  }
0x7b: {  	[sflag:s24] =	ssyncset.done $0x0  }
0x7c: {  	p1 =	sne.s32 s15, $0x4C0;
	s17 =	sadd.s32 s15, s19;
	[sflag:s24] =	ssyncadd.s32 $0xFFFFFF80  }
0x7d: {  	[tilespmem:s29], [sflag:$0x3] =	stream.linear.gather [hbm4b:s17+s3], $0x80, $0x38;
	[tilespmem:$0x1EB80] =	vst v63  }
.Ltmp2:
0x7e: {  	_ = 	snop;
	(pc) =	sbr.rel @p1 .LBB2_4-.Ltmp2, $4  }
0x7f: {  	_ =	swait.ge [sflag:s24], $0x80  }
0x80: {  	[sflag:s24] =	ssyncset.done $0x0  }
0x81: {  	s21 =	sadd.s32 $0x100, s21;
	s15 =	sadd.s32 $0x20, s15;
	[sflag:s24] =	ssyncadd.s32 $0xFFFFFF80  }
0x82: {  	[tilespmem:s30], [sflag:$0x2] =	stream.indirect.gather [hbm4b:s1+s25], $0x80, s28, s25, $0xb8;
	[tilespmem:$0x1EB80] =	vst v63  }
0x83: {  	_ =	swait.ge [sflag:s31], $0x4000  }
0x84: {  	[sflag:s31] =	ssyncset.done $0x0  }
0x85: {  	[sflag:s31] =	ssyncadd.s32 $0xFFFFC000  }
0x86: {  	_ =	swait.ge [sflag:s0], $0x4000  }
0x87: {  	[sflag:s0] =	ssyncset.done $0x0  }
0x88: {  	s15 =	rddreg [dreg:$0xa];
	[sflag:s0] =	ssyncadd.s32 $0xFFFFC000  }
0x89: {  	[tilespmem:s4], [sflag:$0x3] =	stream.linear.gather [hbm4b:s15+s3], $0x10, $0x38;
	[tilespmem:$0x1EB80] =	vst v63  }
0x8a: {  	_ =	swait.ge [sflag:s24], $0x10  }
0x8b: {  	[sflag:s24] =	ssyncset.done $0x0  }
0x8c: {  	s17 =	rddreg [dreg:$0xb];
	[sflag:s24] =	ssyncadd.s32 $0xFFFFFFF0  }
0x8d: {  	[tilespmem:s8], [sflag:$0x3] =	stream.linear.gather [hbm4b:s17+s3], $0x10, $0x38;
	[tilespmem:$0x1EB80] =	vst v63  }
0x8e: {  	_ =	swait.ge [sflag:s24], $0x10  }
0x8f: {  	[sflag:s24] =	ssyncset.done $0x0  }
0x90: {  	[sflag:s24] =	ssyncadd.s32 $0xFFFFFFF0  }
0x91: {  	[tilespmem:s11], [sflag:$0x1] =	stream.indirect.gather [hbm4b:s1+s10], $0x80, s4, s10, $0xb8;
	[tilespmem:$0x1EB80] =	vst v63  }
0x92: {  	_ =	swait.ge [sflag:s31], $0x800  }
0x93: {  	[sflag:s31] =	ssyncset.done $0x0  }
0x94: {  	[sflag:s31] =	ssyncadd.s32 $0xFFFFF800  }
0x95: {  	[spmem:s2] =	stream.indirect.scatter.add.f32 [tilespmem:s11], [sflag:$0x3], $0x80, s8, s10, $0xb8;
	[tilespmem:$0x1EB80] =	vst v63  }
0x96: {  	_ =	swait.ge [sflag:s24], $0x800  }
0x97: {  	[sflag:s24] =	ssyncset.done $0x0  }
0x98: {  	[sflag:s24] =	ssyncadd.s32 $0xFFFFF800  }
0x99: {  	v1 =	vld [tilespmem:$0x8280];
	_ =	sdelay $0x7  }
0x9a: {  	s21 =	rddreg [dreg:$0xc];
	[tilespmem:v1+s23+$0x0] =	vst.idx.add.f32.msk $0xffff, v0  }
0x9b: {  	[hbm4b:s21+s3] =	stream.linear.scatter [tilespmem:s23], [sflag:$0x3], $0x2800, $0x38;
	[tilespmem:$0x1EB80] =	vst v63  }
0x9c: {  	_ =	swait.ge [sflag:s24], $0x2800  }
0x9d: {  	[sflag:s24] =	ssyncset.done $0x0  }
.Ltmp3:
0x9e: {  	[sflag:s24] =	ssyncadd.s32 $0xFFFFD800;
	(pc) =	sbr.rel @!p0 .LBB2_7-.Ltmp3, $4  }
0x9f: {  	[bflag:$0x0] =	sbarrier.arrive $0xFFFF  }
0xa0: {  	[hbm:s22], [sflag:s13] =	dma.local [spmem:s14], $0x500  }
0xa1: {  	s15 =	sadd.s32 $0x28000, s18;
	_ =	swait.ge [sflag:s24], $0x500  }
0xa2: {  	s21 =	smov.u32 s22;
	s14 =	sadd.s32 $0xFFFFFFFF, s9;
	[sflag:s24] =	ssyncset.done $0x0  }
.LBB2_6:
0xa3: {  	s16 =	sshrl.u32 s15, $0x3  }
0xa4: {  	[sflag:s24] =	ssyncadd.s32 $0xFFFFFB00;
	s21 =	sadd.s32 $0x5000, s21;
	p0 =	sne.s32 s14, $0x1  }
0xa5: {  	[hbm:s21], [sflag:s13] =	dma.local [spmem:s16], $0x500  }
.Ltmp4:
0xa6: {  	_ = 	snop;
	(pc) =	sbr.rel @p0 .LBB2_6-.Ltmp4, $4  }
0xa7: {  	_ = 	snop  }
0xa8: {  	s14 =	sadd.s32 $0xFFFFFFFF, s14  }
0xa9: {  	_ =	swait.ge [sflag:s24], $0x500  }
0xaa: {  	s15 =	sadd.s32 $0x28000, s15;
	[sflag:s24] =	ssyncset.done $0x0  }
.LBB2_7:
0xab: {  	s12 =	sadd.s32 $0x1, s12;
	s13 =	rddreg [dreg:$0xd]  }
0xac: {  	p0 =	sne.s32 s12, s13  }
.Ltmp5:
0xad: {  	_ = 	snop;
	(pc) =	sbr.rel @p0 .LBB2_1-.Ltmp5, $2  }
0xae: {  	_ =	sdelay $0x2  }
0xaf: {  	[sflag:s24] =	ssyncadd.s32 $0xFFFFFB00  }
0xb0: {  	_ =	sfence.sel $0x180000  }
0xb1: {  	[bflag:$0x0] =	sbarrier.arrive $0xFFFF  }
0xb2: {  	_ =	strace $0x90000047  }
0xb3: {  	s0 =	stileid.u32;
	[bflag:$0x2] =	sbarrier.arrive $0xFFFF  }
0xb4: {  	p0 =	sne.s32 s0, $0x0;
	s0 =	rddreg [dreg:$0x4]  }
0xb5: {  	s0 =	sadd.s32 @!p0 $0x100000, s0  }
0xb6: {  	[sflag:s0] =	ssyncadd.tile.s32 @!p0 $0x1;
	_ =	shalt  }
.Lfunc_end2:
_tile_overlayer_lowered:
.L_overlay_start_2:
0xb7: {  	(tag) =	ssettag $0x2  }
0xb8: {  	s0 =	rddreg [dreg:$0x0];
	s2 =	stileid.u32  }
0xb9: {  	s1 =	rddreg [dreg:$0x1];
	p0 =	sne.s32 s2, $0x0  }
0xba: {  	s3 =	rddreg [dreg:$0x2];
	[bflag:$0x3] =	sbarrier.arrive $0xFFFF;
	s2 =	simm.s32 @!p0 $0x1C03  }
0xbb: {  	[timem:s3], [sflag:s2] =	dma.local @!p0 [hbm:s0], s1  }
0xbc: {  	s0 =	simm.s32 @!p0 $0x3  }
0xbd: {  	_ =	swait.ge @!p0 [sflag:s0], s1  }
0xbe: {  	s1 =	ssub.s32 @!p0 $0x0, s1;
	[sflag:s0] =	ssyncset.done @!p0 $0x0  }
0xbf: {  	[sflag:s0] =	ssyncadd.s32 @!p0 s1  }
0xc0: {  	[bflag:$0x3] =	sbarrier.arrive $0xFFFF  }
0xc1: {  	_ =	shalt  }

</sc_bundles>
